<compile_context>
chip_gen: v7x
topology: tpu7x:2x2x1
jax: 0.10.2.dev20260603
libtpu: 0.0.44.dev20260713+nightly
codegen_flags: <defaults>
</compile_context>

<pallas_src>
import functools
import math

import jax
import jax.numpy as jnp
from jax import lax
from jax.experimental import pallas as pl
from jax.experimental.pallas import tpu as pltpu
from jax.experimental.pallas import tpu_sc as plsc

D_MODEL = 128
SCALE = math.sqrt(float(D_MODEL))

NUM_CORES = 2
NUM_SUBCORES = 16
NUM_LANES = 16
NW = NUM_CORES * NUM_SUBCORES

CHUNK = 128


def _build_gather(n_chunks: int):
    assert n_chunks % 2 == 0
    mesh = plsc.VectorSubcoreMesh(core_axis_name="c", subcore_axis_name="s")
    total_rows = NW * n_chunks * CHUNK

    DEPTH = 3
    n_main = (n_chunks // DEPTH) * DEPTH

    @functools.partial(
        pl.kernel,
        mesh=mesh,
        out_type=jax.ShapeDtypeStruct((total_rows, D_MODEL), jnp.float32),
        scratch_types=[
            pltpu.VMEM((n_chunks * CHUNK,), jnp.int32),
        ]
        + [pltpu.VMEM((CHUNK, D_MODEL), jnp.float32)] * (2 * DEPTH)
        + [pltpu.SemaphoreType.DMA] * (2 * DEPTH),
    )
    def k(table_hbm, idx_hbm, out_hbm, idx_v, *bufs_sems):
        ibufs = bufs_sems[0:DEPTH]
        obufs = bufs_sems[DEPTH:2 * DEPTH]
        isems = bufs_sems[2 * DEPTH:3 * DEPTH]
        osems = bufs_sems[3 * DEPTH:4 * DEPTH]

        wid = lax.axis_index("s") * NUM_CORES + lax.axis_index("c")
        base = wid * (n_chunks * CHUNK)
        pltpu.sync_copy(idx_hbm.at[pl.ds(base, n_chunks * CHUNK)], idx_v)

        def start_gather(j, s):
            idx = idx_v.at[pl.ds(j * CHUNK, CHUNK)]
            pltpu.make_async_copy(table_hbm.at[idx], ibufs[s], isems[s]).start()

        def wait_gather(j, s):
            idx = idx_v.at[pl.ds(j * CHUNK, CHUNK)]
            pltpu.make_async_copy(table_hbm.at[idx], ibufs[s], isems[s]).wait()

        def start_store(j, s):
            dst = out_hbm.at[pl.ds(base + j * CHUNK, CHUNK)]
            pltpu.make_async_copy(obufs[s], dst, osems[s]).start()

        def wait_store(s):
            dst = out_hbm.at[pl.ds(base, CHUNK)]
            pltpu.make_async_copy(obufs[s], dst, osems[s]).wait()

        def scale(s):
            ibuf, obuf = ibufs[s], obufs[s]

            @plsc.parallel_loop(0, CHUNK, unroll=4)
            def _(r):
                for c in range(D_MODEL // NUM_LANES):
                    sl = pl.ds(c * NUM_LANES, NUM_LANES)
                    obuf.at[r, sl][...] = ibuf.at[r, sl][...] * SCALE

        for s in range(DEPTH):
            start_gather(s, s)

        @pl.loop(0, n_main, step=DEPTH)
        def _(j):
            for s in range(DEPTH):
                jj = j + s
                wait_gather(jj, s)

                @pl.when(jj >= DEPTH)
                def _():
                    wait_store(s)

                scale(s)
                if n_main + s >= n_chunks:
                    @pl.when(jj + DEPTH < n_chunks)
                    def _():
                        start_gather(jj + DEPTH, s)
                else:
                    start_gather(jj + DEPTH, s)
                start_store(jj, s)

        for j in range(n_main, n_chunks):
            s = j % DEPTH
            wait_gather(j, s)
            wait_store(s)
            scale(s)
            start_store(j, s)

        for s in range(DEPTH):
            wait_store(s)

    return k


def kernel(x, table):
    b, l = x.shape
    vocab, d = table.shape
    assert d == D_MODEL
    n_total = b * l
    assert n_total % (NW * CHUNK) == 0
    n_chunks = n_total // (NW * CHUNK)
    idx = x.reshape(n_total).astype(jnp.int32)
    out = _build_gather(n_chunks)(table, idx)
    return out.reshape(b, l, d)

# --- scband reference (transcript-rebuilt; emitter-appended) ---
"""Pipeline reference for scband-token-embedding-6365141533025 (READ-ONLY COPY).

The authoritative reference and input builder live on the scoring server;
editing this copy changes nothing except your own understanding.
"""

import jax, jax.numpy as jnp
import numpy as np
import math

VOCAB_SIZE = 1000000
D_MODEL = 128

def setup_inputs(seed: int = 0) -> dict:
    key = jax.random.key(seed)
    k1, k2 = jax.random.split(key)
    x = jax.random.randint(k1, (1024, 200), 0, VOCAB_SIZE, dtype=jnp.int64 if jax.config.jax_enable_x64 else jnp.int32)
    table = jax.random.normal(k2, (VOCAB_SIZE, D_MODEL), dtype=jnp.float32)
    return {"x": x, "table": table}

def reference(x, table):
    # TokenEmbedding.forward: embedding(x) * sqrt(d_model)
    emb = jnp.take(table, x, axis=0)  # [B, L, D]
    return emb * math.sqrt(D_MODEL)

if __name__ == "__main__":
    import jax
    _d = setup_inputs()
    print(jax.jit(kernel)(*tuple(_d.values())))

</pallas_src>

<mosaic_0001>
#map = affine_map<(d0, d1) -> (0, 0)>
#map1 = affine_map<(d0, d1) -> (0)>
module attributes {stable_mosaic.version = 14 : i64} {
  func.func @k(%arg0: i32, %arg1: i32, %arg2: memref<1000000x128xf32, #tpu.memory_space<hbm>>, %arg3: memref<204800xi32, #tpu.memory_space<hbm>>, %arg4: memref<204800x128xf32, #tpu.memory_space<hbm>>, %arg5: memref<6400xi32, #tpu.memory_space<vmem>>, %arg6: memref<128x128xf32, #tpu.memory_space<vmem>>, %arg7: memref<128x128xf32, #tpu.memory_space<vmem>>, %arg8: memref<128x128xf32, #tpu.memory_space<vmem>>, %arg9: memref<128x128xf32, #tpu.memory_space<vmem>>, %arg10: memref<128x128xf32, #tpu.memory_space<vmem>>, %arg11: memref<128x128xf32, #tpu.memory_space<vmem>>, %arg12: memref<!tpu.dma_semaphore, #tpu.memory_space<semaphore_mem>>, %arg13: memref<!tpu.dma_semaphore, #tpu.memory_space<semaphore_mem>>, %arg14: memref<!tpu.dma_semaphore, #tpu.memory_space<semaphore_mem>>, %arg15: memref<!tpu.dma_semaphore, #tpu.memory_space<semaphore_mem>>, %arg16: memref<!tpu.dma_semaphore, #tpu.memory_space<semaphore_mem>>, %arg17: memref<!tpu.dma_semaphore, #tpu.memory_space<semaphore_mem>>) attributes {dimension_semantics = [#tpu.dimension_semantics<core_parallel>, #tpu.dimension_semantics<subcore_parallel>], iteration_bounds = array<i64: 2, 16>, scalar_prefetch = 0 : i64, scratch_operands = 13 : i64, tpu.core_type = #tpu.core_type<sc_vector_subcore>, window_params = [{transform_indices = #map}, {transform_indices = #map1}, {transform_indices = #map}]} {
    %mul3A = arith.constant 2 : i32
    %mul3A_0 = arith.muli %arg1, %mul3A : i32
    %add3A = arith.addi %mul3A_0, %arg0 : i32
    %mul3A_1 = arith.constant 6400 : i32
    %mul3A_2 = arith.muli %add3A, %mul3A_1 : i32
    "tpu.region"() ({
      %run_scoped3A = tpu.sem_alloc : memref<!tpu.dma_semaphore, #tpu.memory_space<semaphore_mem>>
      %dma_start3A_67 = tpu.memref_slice %arg3[%mul3A_2] : memref<204800xi32, #tpu.memory_space<hbm>> -> memref<6400xi32, #tpu.memory_space<hbm>>
      %dma_start3A_68 = tpu.memref_slice %arg3[%mul3A_2] : memref<204800xi32, #tpu.memory_space<hbm>> -> memref<6400xi32, #tpu.memory_space<hbm>>
      tpu.enqueue_dma source(%dma_start3A_68 : memref<6400xi32, #tpu.memory_space<hbm>>) target(%arg5 : memref<6400xi32, #tpu.memory_space<vmem>>) target_semaphore(%run_scoped3A : memref<!tpu.dma_semaphore, #tpu.memory_space<semaphore_mem>>)
      %dma_wait3A_69 = tpu.memref_slice %arg3[%mul3A_2] : memref<204800xi32, #tpu.memory_space<hbm>> -> memref<6400xi32, #tpu.memory_space<hbm>>
      %dma_wait3A_70 = tpu.memref_slice %arg3[%mul3A_2] : memref<204800xi32, #tpu.memory_space<hbm>> -> memref<6400xi32, #tpu.memory_space<hbm>>
      tpu.wait_dma2 semaphore(%run_scoped3A : memref<!tpu.dma_semaphore, #tpu.memory_space<semaphore_mem>>) src(%dma_wait3A_70 : memref<6400xi32, #tpu.memory_space<hbm>>) dst(%arg5 : memref<6400xi32, #tpu.memory_space<vmem>>)
      tpu.yield
    }) : () -> ()
    %dma_start3A = arith.constant 0 : i32
    %dma_start3A_3 = tpu.memref_slice %arg5[%dma_start3A] : memref<6400xi32, #tpu.memory_space<vmem>> -> memref<128xi32, #tpu.memory_space<vmem>>
    %dma_start3A_4 = arith.constant 0 : i32
    %dma_start3A_5 = arith.constant 0 : i32
    %dma_start3A_6 = tpu.memref_slice %arg2[%dma_start3A_4, %dma_start3A_5] : memref<1000000x128xf32, #tpu.memory_space<hbm>> -> memref<1000000x128xf32, #tpu.memory_space<hbm>>
    tpu.enqueue_indirect_dma source(%dma_start3A_6 : memref<1000000x128xf32, #tpu.memory_space<hbm>>) target(%arg6 : memref<128x128xf32, #tpu.memory_space<vmem>>) offsets(%dma_start3A_3 : memref<128xi32, #tpu.memory_space<vmem>>) semaphore(%arg12 : memref<!tpu.dma_semaphore, #tpu.memory_space<semaphore_mem>>)
    %dma_start3A_7 = arith.constant 128 : i32
    %dma_start3A_8 = tpu.memref_slice %arg5[%dma_start3A_7] : memref<6400xi32, #tpu.memory_space<vmem>> -> memref<128xi32, #tpu.memory_space<vmem>>
    %dma_start3A_9 = arith.constant 0 : i32
    %dma_start3A_10 = arith.constant 0 : i32
    %dma_start3A_11 = tpu.memref_slice %arg2[%dma_start3A_9, %dma_start3A_10] : memref<1000000x128xf32, #tpu.memory_space<hbm>> -> memref<1000000x128xf32, #tpu.memory_space<hbm>>
    tpu.enqueue_indirect_dma source(%dma_start3A_11 : memref<1000000x128xf32, #tpu.memory_space<hbm>>) target(%arg7 : memref<128x128xf32, #tpu.memory_space<vmem>>) offsets(%dma_start3A_8 : memref<128xi32, #tpu.memory_space<vmem>>) semaphore(%arg13 : memref<!tpu.dma_semaphore, #tpu.memory_space<semaphore_mem>>)
    %dma_start3A_12 = arith.constant 256 : i32
    %dma_start3A_13 = tpu.memref_slice %arg5[%dma_start3A_12] : memref<6400xi32, #tpu.memory_space<vmem>> -> memref<128xi32, #tpu.memory_space<vmem>>
    %dma_start3A_14 = arith.constant 0 : i32
    %dma_start3A_15 = arith.constant 0 : i32
    %dma_start3A_16 = tpu.memref_slice %arg2[%dma_start3A_14, %dma_start3A_15] : memref<1000000x128xf32, #tpu.memory_space<hbm>> -> memref<1000000x128xf32, #tpu.memory_space<hbm>>
    tpu.enqueue_indirect_dma source(%dma_start3A_16 : memref<1000000x128xf32, #tpu.memory_space<hbm>>) target(%arg8 : memref<128x128xf32, #tpu.memory_space<vmem>>) offsets(%dma_start3A_13 : memref<128xi32, #tpu.memory_space<vmem>>) semaphore(%arg14 : memref<!tpu.dma_semaphore, #tpu.memory_space<semaphore_mem>>)
    %scan3A = arith.constant 0 : i32
    %scan3A_17 = arith.constant 16 : i32
    %scan3A_18 = arith.addi %scan3A, %scan3A_17 : i32
    %scan3A_19 = arith.constant 1 : i32
    scf.for %scan3A_67 = %scan3A to %scan3A_18 step %scan3A_19  : i32 {
      %mul3A_68 = arith.constant 3 : i32
      %mul3A_69 = arith.muli %scan3A_67, %mul3A_68 : i32
      %add3A_70 = arith.constant 0 : i32
      %add3A_71 = arith.addi %add3A_70, %mul3A_69 : i32
      %add3A_72 = arith.constant 0 : i32
      %add3A_73 = arith.addi %add3A_71, %add3A_72 : i32
      %mul3A_74 = arith.constant 128 : i32
      %mul3A_75 = arith.muli %add3A_73, %mul3A_74 : i32
      %dma_wait3A_76 = tpu.memref_slice %arg5[%mul3A_75] : memref<6400xi32, #tpu.memory_space<vmem>> -> memref<128xi32, #tpu.memory_space<vmem>>
      %dma_wait3A_77 = arith.constant 0 : i32
      %dma_wait3A_78 = arith.constant 0 : i32
      %dma_wait3A_79 = tpu.memref_slice %arg2[%dma_wait3A_77, %dma_wait3A_78] : memref<1000000x128xf32, #tpu.memory_space<hbm>> -> memref<1000000x128xf32, #tpu.memory_space<hbm>>
      tpu.wait_indirect_dma semaphore(%arg12 : memref<!tpu.dma_semaphore, #tpu.memory_space<semaphore_mem>>) src(%dma_wait3A_79 : memref<1000000x128xf32, #tpu.memory_space<hbm>>) dst(%arg6 : memref<128x128xf32, #tpu.memory_space<vmem>>)
      %ge3A = arith.constant 3 : i32
      %ge3A_80 = arith.cmpi sge, %add3A_73, %ge3A : i32
      %convert_element_type3A = arith.extui %ge3A_80 : i1 to i32
      %cond3A = arith.constant 0 : i32
      %cond3A_81 = arith.cmpi ne, %convert_element_type3A, %cond3A : i32
      scf.if %cond3A_81 {
        %dma_wait3A_160 = arith.constant 0 : i32
        %dma_wait3A_161 = tpu.memref_slice %arg4[%mul3A_2, %dma_wait3A_160] : memref<204800x128xf32, #tpu.memory_space<hbm>> -> memref<128x128xf32, #tpu.memory_space<hbm>>
        %dma_wait3A_162 = arith.constant 0 : i32
        %dma_wait3A_163 = tpu.memref_slice %arg4[%mul3A_2, %dma_wait3A_162] : memref<204800x128xf32, #tpu.memory_space<hbm>> -> memref<128x128xf32, #tpu.memory_space<hbm>>
        tpu.wait_dma2 semaphore(%arg15 : memref<!tpu.dma_semaphore, #tpu.memory_space<semaphore_mem>>) src(%arg9 : memref<128x128xf32, #tpu.memory_space<vmem>>) dst(%dma_wait3A_163 : memref<128x128xf32, #tpu.memory_space<hbm>>)
      } else {
      }
      %parallel_loop3A_82 = arith.constant 0 : i32
      %parallel_loop3A_83 = arith.constant 128 : i32
      %parallel_loop3A_84 = arith.constant 1 : i32
      scf.for %parallel_loop3A_160 = %parallel_loop3A_82 to %parallel_loop3A_83 step %parallel_loop3A_84  : i32 {
        %parallel_loop3A_161 = arith.index_cast %parallel_loop3A_160 : i32 to index
        %parallel_loop3A_162 = arith.constant 0 : index
        %parallel_loop3A_163 = tpu.vector_load %arg6[%parallel_loop3A_161, %parallel_loop3A_162] {strides = array<i32>} : memref<128x128xf32, #tpu.memory_space<vmem>>, vector<1x16xf32>,
        %parallel_loop3A_164 = vector.shape_cast %parallel_loop3A_163 : vector<1x16xf32> to vector<16xf32>
        %parallel_loop3A_165 = arith.constant 11.3137083 : f32
        %parallel_loop3A_166 = vector.broadcast %parallel_loop3A_165 : f32 to vector<16xf32>
        %parallel_loop3A_167 = arith.mulf %parallel_loop3A_164, %parallel_loop3A_166 : vector<16xf32>
        %parallel_loop3A_168 = arith.index_cast %parallel_loop3A_160 : i32 to index
        %parallel_loop3A_169 = arith.constant 0 : index
        %parallel_loop3A_170 = tpu.vector_load %arg9[%parallel_loop3A_168, %parallel_loop3A_169] {strides = array<i32>} : memref<128x128xf32, #tpu.memory_space<vmem>>, vector<1x16xf32>,
        %parallel_loop3A_171 = vector.shape_cast %parallel_loop3A_170 : vector<1x16xf32> to vector<16xf32>
        %parallel_loop3A_172 = vector.shape_cast %parallel_loop3A_167 : vector<16xf32> to vector<1x16xf32>
        tpu.vector_store %arg9[%parallel_loop3A_168, %parallel_loop3A_169], %parallel_loop3A_172 {strides = array<i32>} : memref<128x128xf32, #tpu.memory_space<vmem>>, vector<1x16xf32>,
        %parallel_loop3A_173 = arith.index_cast %parallel_loop3A_160 : i32 to index
        %parallel_loop3A_174 = arith.constant 16 : index
        %parallel_loop3A_175 = tpu.vector_load %arg6[%parallel_loop3A_173, %parallel_loop3A_174] {strides = array<i32>} : memref<128x128xf32, #tpu.memory_space<vmem>>, vector<1x16xf32>,
        %parallel_loop3A_176 = vector.shape_cast %parallel_loop3A_175 : vector<1x16xf32> to vector<16xf32>
        %parallel_loop3A_177 = arith.constant 11.3137083 : f32
        %parallel_loop3A_178 = vector.broadcast %parallel_loop3A_177 : f32 to vector<16xf32>
        %parallel_loop3A_179 = arith.mulf %parallel_loop3A_176, %parallel_loop3A_178 : vector<16xf32>
        %parallel_loop3A_180 = arith.index_cast %parallel_loop3A_160 : i32 to index
        %parallel_loop3A_181 = arith.constant 16 : index
        %parallel_loop3A_182 = tpu.vector_load %arg9[%parallel_loop3A_180, %parallel_loop3A_181] {strides = array<i32>} : memref<128x128xf32, #tpu.memory_space<vmem>>, vector<1x16xf32>,
        %parallel_loop3A_183 = vector.shape_cast %parallel_loop3A_182 : vector<1x16xf32> to vector<16xf32>
        %parallel_loop3A_184 = vector.shape_cast %parallel_loop3A_179 : vector<16xf32> to vector<1x16xf32>
        tpu.vector_store %arg9[%parallel_loop3A_180, %parallel_loop3A_181], %parallel_loop3A_184 {strides = array<i32>} : memref<128x128xf32, #tpu.memory_space<vmem>>, vector<1x16xf32>,
        %parallel_loop3A_185 = arith.index_cast %parallel_loop3A_160 : i32 to index
        %parallel_loop3A_186 = arith.constant 32 : index
        %parallel_loop3A_187 = tpu.vector_load %arg6[%parallel_loop3A_185, %parallel_loop3A_186] {strides = array<i32>} : memref<128x128xf32, #tpu.memory_space<vmem>>, vector<1x16xf32>,
        %parallel_loop3A_188 = vector.shape_cast %parallel_loop3A_187 : vector<1x16xf32> to vector<16xf32>
        %parallel_loop3A_189 = arith.constant 11.3137083 : f32
        %parallel_loop3A_190 = vector.broadcast %parallel_loop3A_189 : f32 to vector<16xf32>
        %parallel_loop3A_191 = arith.mulf %parallel_loop3A_188, %parallel_loop3A_190 : vector<16xf32>
        %parallel_loop3A_192 = arith.index_cast %parallel_loop3A_160 : i32 to index
        %parallel_loop3A_193 = arith.constant 32 : index
        %parallel_loop3A_194 = tpu.vector_load %arg9[%parallel_loop3A_192, %parallel_loop3A_193] {strides = array<i32>} : memref<128x128xf32, #tpu.memory_space<vmem>>, vector<1x16xf32>,
        %parallel_loop3A_195 = vector.shape_cast %parallel_loop3A_194 : vector<1x16xf32> to vector<16xf32>
        %parallel_loop3A_196 = vector.shape_cast %parallel_loop3A_191 : vector<16xf32> to vector<1x16xf32>
        tpu.vector_store %arg9[%parallel_loop3A_192, %parallel_loop3A_193], %parallel_loop3A_196 {strides = array<i32>} : memref<128x128xf32, #tpu.memory_space<vmem>>, vector<1x16xf32>,
        %parallel_loop3A_197 = arith.index_cast %parallel_loop3A_160 : i32 to index
        %parallel_loop3A_198 = arith.constant 48 : index
        %parallel_loop3A_199 = tpu.vector_load %arg6[%parallel_loop3A_197, %parallel_loop3A_198] {strides = array<i32>} : memref<128x128xf32, #tpu.memory_space<vmem>>, vector<1x16xf32>,
        %parallel_loop3A_200 = vector.shape_cast %parallel_loop3A_199 : vector<1x16xf32> to vector<16xf32>
        %parallel_loop3A_201 = arith.constant 11.3137083 : f32
        %parallel_loop3A_202 = vector.broadcast %parallel_loop3A_201 : f32 to vector<16xf32>
        %parallel_loop3A_203 = arith.mulf %parallel_loop3A_200, %parallel_loop3A_202 : vector<16xf32>
        %parallel_loop3A_204 = arith.index_cast %parallel_loop3A_160 : i32 to index
        %parallel_loop3A_205 = arith.constant 48 : index
        %parallel_loop3A_206 = tpu.vector_load %arg9[%parallel_loop3A_204, %parallel_loop3A_205] {strides = array<i32>} : memref<128x128xf32, #tpu.memory_space<vmem>>, vector<1x16xf32>,
        %parallel_loop3A_207 = vector.shape_cast %parallel_loop3A_206 : vector<1x16xf32> to vector<16xf32>
        %parallel_loop3A_208 = vector.shape_cast %parallel_loop3A_203 : vector<16xf32> to vector<1x16xf32>
        tpu.vector_store %arg9[%parallel_loop3A_204, %parallel_loop3A_205], %parallel_loop3A_208 {strides = array<i32>} : memref<128x128xf32, #tpu.memory_space<vmem>>, vector<1x16xf32>,
        %parallel_loop3A_209 = arith.index_cast %parallel_loop3A_160 : i32 to index
        %parallel_loop3A_210 = arith.constant 64 : index
        %parallel_loop3A_211 = tpu.vector_load %arg6[%parallel_loop3A_209, %parallel_loop3A_210] {strides = array<i32>} : memref<128x128xf32, #tpu.memory_space<vmem>>, vector<1x16xf32>,
        %parallel_loop3A_212 = vector.shape_cast %parallel_loop3A_211 : vector<1x16xf32> to vector<16xf32>
        %parallel_loop3A_213 = arith.constant 11.3137083 : f32
        %parallel_loop3A_214 = vector.broadcast %parallel_loop3A_213 : f32 to vector<16xf32>
        %parallel_loop3A_215 = arith.mulf %parallel_loop3A_212, %parallel_loop3A_214 : vector<16xf32>
        %parallel_loop3A_216 = arith.index_cast %parallel_loop3A_160 : i32 to index
        %parallel_loop3A_217 = arith.constant 64 : index
        %parallel_loop3A_218 = tpu.vector_load %arg9[%parallel_loop3A_216, %parallel_loop3A_217] {strides = array<i32>} : memref<128x128xf32, #tpu.memory_space<vmem>>, vector<1x16xf32>,
        %parallel_loop3A_219 = vector.shape_cast %parallel_loop3A_218 : vector<1x16xf32> to vector<16xf32>
        %parallel_loop3A_220 = vector.shape_cast %parallel_loop3A_215 : vector<16xf32> to vector<1x16xf32>
        tpu.vector_store %arg9[%parallel_loop3A_216, %parallel_loop3A_217], %parallel_loop3A_220 {strides = array<i32>} : memref<128x128xf32, #tpu.memory_space<vmem>>, vector<1x16xf32>,
        %parallel_loop3A_221 = arith.index_cast %parallel_loop3A_160 : i32 to index
        %parallel_loop3A_222 = arith.constant 80 : index
        %parallel_loop3A_223 = tpu.vector_load %arg6[%parallel_loop3A_221, %parallel_loop3A_222] {strides = array<i32>} : memref<128x128xf32, #tpu.memory_space<vmem>>, vector<1x16xf32>,
        %parallel_loop3A_224 = vector.shape_cast %parallel_loop3A_223 : vector<1x16xf32> to vector<16xf32>
        %parallel_loop3A_225 = arith.constant 11.3137083 : f32
        %parallel_loop3A_226 = vector.broadcast %parallel_loop3A_225 : f32 to vector<16xf32>
        %parallel_loop3A_227 = arith.mulf %parallel_loop3A_224, %parallel_loop3A_226 : vector<16xf32>
        %parallel_loop3A_228 = arith.index_cast %parallel_loop3A_160 : i32 to index
        %parallel_loop3A_229 = arith.constant 80 : index
        %parallel_loop3A_230 = tpu.vector_load %arg9[%parallel_loop3A_228, %parallel_loop3A_229] {strides = array<i32>} : memref<128x128xf32, #tpu.memory_space<vmem>>, vector<1x16xf32>,
        %parallel_loop3A_231 = vector.shape_cast %parallel_loop3A_230 : vector<1x16xf32> to vector<16xf32>
        %parallel_loop3A_232 = vector.shape_cast %parallel_loop3A_227 : vector<16xf32> to vector<1x16xf32>
        tpu.vector_store %arg9[%parallel_loop3A_228, %parallel_loop3A_229], %parallel_loop3A_232 {strides = array<i32>} : memref<128x128xf32, #tpu.memory_space<vmem>>, vector<1x16xf32>,
        %parallel_loop3A_233 = arith.index_cast %parallel_loop3A_160 : i32 to index
        %parallel_loop3A_234 = arith.constant 96 : index
        %parallel_loop3A_235 = tpu.vector_load %arg6[%parallel_loop3A_233, %parallel_loop3A_234] {strides = array<i32>} : memref<128x128xf32, #tpu.memory_space<vmem>>, vector<1x16xf32>,
        %parallel_loop3A_236 = vector.shape_cast %parallel_loop3A_235 : vector<1x16xf32> to vector<16xf32>
        %parallel_loop3A_237 = arith.constant 11.3137083 : f32
        %parallel_loop3A_238 = vector.broadcast %parallel_loop3A_237 : f32 to vector<16xf32>
        %parallel_loop3A_239 = arith.mulf %parallel_loop3A_236, %parallel_loop3A_238 : vector<16xf32>
        %parallel_loop3A_240 = arith.index_cast %parallel_loop3A_160 : i32 to index
        %parallel_loop3A_241 = arith.constant 96 : index
        %parallel_loop3A_242 = tpu.vector_load %arg9[%parallel_loop3A_240, %parallel_loop3A_241] {strides = array<i32>} : memref<128x128xf32, #tpu.memory_space<vmem>>, vector<1x16xf32>,
        %parallel_loop3A_243 = vector.shape_cast %parallel_loop3A_242 : vector<1x16xf32> to vector<16xf32>
        %parallel_loop3A_244 = vector.shape_cast %parallel_loop3A_239 : vector<16xf32> to vector<1x16xf32>
        tpu.vector_store %arg9[%parallel_loop3A_240, %parallel_loop3A_241], %parallel_loop3A_244 {strides = array<i32>} : memref<128x128xf32, #tpu.memory_space<vmem>>, vector<1x16xf32>,
        %parallel_loop3A_245 = arith.index_cast %parallel_loop3A_160 : i32 to index
        %parallel_loop3A_246 = arith.constant 112 : index
        %parallel_loop3A_247 = tpu.vector_load %arg6[%parallel_loop3A_245, %parallel_loop3A_246] {strides = array<i32>} : memref<128x128xf32, #tpu.memory_space<vmem>>, vector<1x16xf32>,
        %parallel_loop3A_248 = vector.shape_cast %parallel_loop3A_247 : vector<1x16xf32> to vector<16xf32>
        %parallel_loop3A_249 = arith.constant 11.3137083 : f32
        %parallel_loop3A_250 = vector.broadcast %parallel_loop3A_249 : f32 to vector<16xf32>
        %parallel_loop3A_251 = arith.mulf %parallel_loop3A_248, %parallel_loop3A_250 : vector<16xf32>
        %parallel_loop3A_252 = arith.index_cast %parallel_loop3A_160 : i32 to index
        %parallel_loop3A_253 = arith.constant 112 : index
        %parallel_loop3A_254 = tpu.vector_load %arg9[%parallel_loop3A_252, %parallel_loop3A_253] {strides = array<i32>} : memref<128x128xf32, #tpu.memory_space<vmem>>, vector<1x16xf32>,
        %parallel_loop3A_255 = vector.shape_cast %parallel_loop3A_254 : vector<1x16xf32> to vector<16xf32>
        %parallel_loop3A_256 = vector.shape_cast %parallel_loop3A_251 : vector<16xf32> to vector<1x16xf32>
        tpu.vector_store %arg9[%parallel_loop3A_252, %parallel_loop3A_253], %parallel_loop3A_256 {strides = array<i32>} : memref<128x128xf32, #tpu.memory_space<vmem>>, vector<1x16xf32>,
      } {sc.loop_unroll_factor = 4 : i64, sc.parallel_access}
      %add3A_85 = arith.constant 3 : i32
      %add3A_86 = arith.addi %add3A_73, %add3A_85 : i32
      %mul3A_87 = arith.constant 128 : i32
      %mul3A_88 = arith.muli %add3A_86, %mul3A_87 : i32
      %dma_start3A_89 = tpu.memref_slice %arg5[%mul3A_88] : memref<6400xi32, #tpu.memory_space<vmem>> -> memref<128xi32, #tpu.memory_space<vmem>>
      %dma_start3A_90 = arith.constant 0 : i32
      %dma_start3A_91 = arith.constant 0 : i32
      %dma_start3A_92 = tpu.memref_slice %arg2[%dma_start3A_90, %dma_start3A_91] : memref<1000000x128xf32, #tpu.memory_space<hbm>> -> memref<1000000x128xf32, #tpu.memory_space<hbm>>
      tpu.enqueue_indirect_dma source(%dma_start3A_92 : memref<1000000x128xf32, #tpu.memory_space<hbm>>) target(%arg6 : memref<128x128xf32, #tpu.memory_space<vmem>>) offsets(%dma_start3A_89 : memref<128xi32, #tpu.memory_space<vmem>>) semaphore(%arg12 : memref<!tpu.dma_semaphore, #tpu.memory_space<semaphore_mem>>)
      %mul3A_93 = arith.constant 128 : i32
      %mul3A_94 = arith.muli %add3A_73, %mul3A_93 : i32
      %add3A_95 = arith.addi %mul3A_2, %mul3A_94 : i32
      %dma_start3A_96 = arith.constant 0 : i32
      %dma_start3A_97 = tpu.memref_slice %arg4[%add3A_95, %dma_start3A_96] : memref<204800x128xf32, #tpu.memory_space<hbm>> -> memref<128x128xf32, #tpu.memory_space<hbm>>
      %dma_start3A_98 = arith.constant 0 : i32
      %dma_start3A_99 = tpu.memref_slice %arg4[%add3A_95, %dma_start3A_98] : memref<204800x128xf32, #tpu.memory_space<hbm>> -> memref<128x128xf32, #tpu.memory_space<hbm>>
      tpu.enqueue_dma source(%arg9 : memref<128x128xf32, #tpu.memory_space<vmem>>) target(%dma_start3A_99 : memref<128x128xf32, #tpu.memory_space<hbm>>) target_semaphore(%arg15 : memref<!tpu.dma_semaphore, #tpu.memory_space<semaphore_mem>>)
      %add3A_100 = arith.constant 1 : i32
      %add3A_101 = arith.addi %add3A_71, %add3A_100 : i32
      %mul3A_102 = arith.constant 128 : i32
      %mul3A_103 = arith.muli %add3A_101, %mul3A_102 : i32
      %dma_wait3A_104 = tpu.memref_slice %arg5[%mul3A_103] : memref<6400xi32, #tpu.memory_space<vmem>> -> memref<128xi32, #tpu.memory_space<vmem>>
      %dma_wait3A_105 = arith.constant 0 : i32
      %dma_wait3A_106 = arith.constant 0 : i32
      %dma_wait3A_107 = tpu.memref_slice %arg2[%dma_wait3A_105, %dma_wait3A_106] : memref<1000000x128xf32, #tpu.memory_space<hbm>> -> memref<1000000x128xf32, #tpu.memory_space<hbm>>
      tpu.wait_indirect_dma semaphore(%arg13 : memref<!tpu.dma_semaphore, #tpu.memory_space<semaphore_mem>>) src(%dma_wait3A_107 : memref<1000000x128xf32, #tpu.memory_space<hbm>>) dst(%arg7 : memref<128x128xf32, #tpu.memory_space<vmem>>)
      %ge3A_108 = arith.constant 3 : i32
      %ge3A_109 = arith.cmpi sge, %add3A_101, %ge3A_108 : i32
      %convert_element_type3A_110 = arith.extui %ge3A_109 : i1 to i32
      %cond3A_111 = arith.constant 0 : i32
      %cond3A_112 = arith.cmpi ne, %convert_element_type3A_110, %cond3A_111 : i32
      scf.if %cond3A_112 {
        %dma_wait3A_160 = arith.constant 0 : i32
        %dma_wait3A_161 = tpu.memref_slice %arg4[%mul3A_2, %dma_wait3A_160] : memref<204800x128xf32, #tpu.memory_space<hbm>> -> memref<128x128xf32, #tpu.memory_space<hbm>>
        %dma_wait3A_162 = arith.constant 0 : i32
        %dma_wait3A_163 = tpu.memref_slice %arg4[%mul3A_2, %dma_wait3A_162] : memref<204800x128xf32, #tpu.memory_space<hbm>> -> memref<128x128xf32, #tpu.memory_space<hbm>>
        tpu.wait_dma2 semaphore(%arg16 : memref<!tpu.dma_semaphore, #tpu.memory_space<semaphore_mem>>) src(%arg10 : memref<128x128xf32, #tpu.memory_space<vmem>>) dst(%dma_wait3A_163 : memref<128x128xf32, #tpu.memory_space<hbm>>)
      } else {
      }
      %parallel_loop3A_113 = arith.constant 0 : i32
      %parallel_loop3A_114 = arith.constant 128 : i32
      %parallel_loop3A_115 = arith.constant 1 : i32
      scf.for %parallel_loop3A_160 = %parallel_loop3A_113 to %parallel_loop3A_114 step %parallel_loop3A_115  : i32 {
        %parallel_loop3A_161 = arith.index_cast %parallel_loop3A_160 : i32 to index
        %parallel_loop3A_162 = arith.constant 0 : index
        %parallel_loop3A_163 = tpu.vector_load %arg7[%parallel_loop3A_161, %parallel_loop3A_162] {strides = array<i32>} : memref<128x128xf32, #tpu.memory_space<vmem>>, vector<1x16xf32>,
        %parallel_loop3A_164 = vector.shape_cast %parallel_loop3A_163 : vector<1x16xf32> to vector<16xf32>
        %parallel_loop3A_165 = arith.constant 11.3137083 : f32
        %parallel_loop3A_166 = vector.broadcast %parallel_loop3A_165 : f32 to vector<16xf32>
        %parallel_loop3A_167 = arith.mulf %parallel_loop3A_164, %parallel_loop3A_166 : vector<16xf32>
        %parallel_loop3A_168 = arith.index_cast %parallel_loop3A_160 : i32 to index
        %parallel_loop3A_169 = arith.constant 0 : index
        %parallel_loop3A_170 = tpu.vector_load %arg10[%parallel_loop3A_168, %parallel_loop3A_169] {strides = array<i32>} : memref<128x128xf32, #tpu.memory_space<vmem>>, vector<1x16xf32>,
        %parallel_loop3A_171 = vector.shape_cast %parallel_loop3A_170 : vector<1x16xf32> to vector<16xf32>
        %parallel_loop3A_172 = vector.shape_cast %parallel_loop3A_167 : vector<16xf32> to vector<1x16xf32>
        tpu.vector_store %arg10[%parallel_loop3A_168, %parallel_loop3A_169], %parallel_loop3A_172 {strides = array<i32>} : memref<128x128xf32, #tpu.memory_space<vmem>>, vector<1x16xf32>,
        %parallel_loop3A_173 = arith.index_cast %parallel_loop3A_160 : i32 to index
        %parallel_loop3A_174 = arith.constant 16 : index
        %parallel_loop3A_175 = tpu.vector_load %arg7[%parallel_loop3A_173, %parallel_loop3A_174] {strides = array<i32>} : memref<128x128xf32, #tpu.memory_space<vmem>>, vector<1x16xf32>,
        %parallel_loop3A_176 = vector.shape_cast %parallel_loop3A_175 : vector<1x16xf32> to vector<16xf32>
        %parallel_loop3A_177 = arith.constant 11.3137083 : f32
        %parallel_loop3A_178 = vector.broadcast %parallel_loop3A_177 : f32 to vector<16xf32>
        %parallel_loop3A_179 = arith.mulf %parallel_loop3A_176, %parallel_loop3A_178 : vector<16xf32>
        %parallel_loop3A_180 = arith.index_cast %parallel_loop3A_160 : i32 to index
        %parallel_loop3A_181 = arith.constant 16 : index
        %parallel_loop3A_182 = tpu.vector_load %arg10[%parallel_loop3A_180, %parallel_loop3A_181] {strides = array<i32>} : memref<128x128xf32, #tpu.memory_space<vmem>>, vector<1x16xf32>,
        %parallel_loop3A_183 = vector.shape_cast %parallel_loop3A_182 : vector<1x16xf32> to vector<16xf32>
        %parallel_loop3A_184 = vector.shape_cast %parallel_loop3A_179 : vector<16xf32> to vector<1x16xf32>
        tpu.vector_store %arg10[%parallel_loop3A_180, %parallel_loop3A_181], %parallel_loop3A_184 {strides = array<i32>} : memref<128x128xf32, #tpu.memory_space<vmem>>, vector<1x16xf32>,
        %parallel_loop3A_185 = arith.index_cast %parallel_loop3A_160 : i32 to index
        %parallel_loop3A_186 = arith.constant 32 : index
        %parallel_loop3A_187 = tpu.vector_load %arg7[%parallel_loop3A_185, %parallel_loop3A_186] {strides = array<i32>} : memref<128x128xf32, #tpu.memory_space<vmem>>, vector<1x16xf32>,
        %parallel_loop3A_188 = vector.shape_cast %parallel_loop3A_187 : vector<1x16xf32> to vector<16xf32>
        %parallel_loop3A_189 = arith.constant 11.3137083 : f32
        %parallel_loop3A_190 = vector.broadcast %parallel_loop3A_189 : f32 to vector<16xf32>
        %parallel_loop3A_191 = arith.mulf %parallel_loop3A_188, %parallel_loop3A_190 : vector<16xf32>
        %parallel_loop3A_192 = arith.index_cast %parallel_loop3A_160 : i32 to index
        %parallel_loop3A_193 = arith.constant 32 : index
        %parallel_loop3A_194 = tpu.vector_load %arg10[%parallel_loop3A_192, %parallel_loop3A_193] {strides = array<i32>} : memref<128x128xf32, #tpu.memory_space<vmem>>, vector<1x16xf32>,
        %parallel_loop3A_195 = vector.shape_cast %parallel_loop3A_194 : vector<1x16xf32> to vector<16xf32>
        %parallel_loop3A_196 = vector.shape_cast %parallel_loop3A_191 : vector<16xf32> to vector<1x16xf32>
        tpu.vector_store %arg10[%parallel_loop3A_192, %parallel_loop3A_193], %parallel_loop3A_196 {strides = array<i32>} : memref<128x128xf32, #tpu.memory_space<vmem>>, vector<1x16xf32>,
        %parallel_loop3A_197 = arith.index_cast %parallel_loop3A_160 : i32 to index
        %parallel_loop3A_198 = arith.constant 48 : index
        %parallel_loop3A_199 = tpu.vector_load %arg7[%parallel_loop3A_197, %parallel_loop3A_198] {strides = array<i32>} : memref<128x128xf32, #tpu.memory_space<vmem>>, vector<1x16xf32>,
        %parallel_loop3A_200 = vector.shape_cast %parallel_loop3A_199 : vector<1x16xf32> to vector<16xf32>
        %parallel_loop3A_201 = arith.constant 11.3137083 : f32
        %parallel_loop3A_202 = vector.broadcast %parallel_loop3A_201 : f32 to vector<16xf32>
        %parallel_loop3A_203 = arith.mulf %parallel_loop3A_200, %parallel_loop3A_202 : vector<16xf32>
        %parallel_loop3A_204 = arith.index_cast %parallel_loop3A_160 : i32 to index
        %parallel_loop3A_205 = arith.constant 48 : index
        %parallel_loop3A_206 = tpu.vector_load %arg10[%parallel_loop3A_204, %parallel_loop3A_205] {strides = array<i32>} : memref<128x128xf32, #tpu.memory_space<vmem>>, vector<1x16xf32>,
        %parallel_loop3A_207 = vector.shape_cast %parallel_loop3A_206 : vector<1x16xf32> to vector<16xf32>
        %parallel_loop3A_208 = vector.shape_cast %parallel_loop3A_203 : vector<16xf32> to vector<1x16xf32>
        tpu.vector_store %arg10[%parallel_loop3A_204, %parallel_loop3A_205], %parallel_loop3A_208 {strides = array<i32>} : memref<128x128xf32, #tpu.memory_space<vmem>>, vector<1x16xf32>,
        %parallel_loop3A_209 = arith.index_cast %parallel_loop3A_160 : i32 to index
        %parallel_loop3A_210 = arith.constant 64 : index
        %parallel_loop3A_211 = tpu.vector_load %arg7[%parallel_loop3A_209, %parallel_loop3A_210] {strides = array<i32>} : memref<128x128xf32, #tpu.memory_space<vmem>>, vector<1x16xf32>,
        %parallel_loop3A_212 = vector.shape_cast %parallel_loop3A_211 : vector<1x16xf32> to vector<16xf32>
        %parallel_loop3A_213 = arith.constant 11.3137083 : f32
        %parallel_loop3A_214 = vector.broadcast %parallel_loop3A_213 : f32 to vector<16xf32>
        %parallel_loop3A_215 = arith.mulf %parallel_loop3A_212, %parallel_loop3A_214 : vector<16xf32>
        %parallel_loop3A_216 = arith.index_cast %parallel_loop3A_160 : i32 to index
        %parallel_loop3A_217 = arith.constant 64 : index
        %parallel_loop3A_218 = tpu.vector_load %arg10[%parallel_loop3A_216, %parallel_loop3A_217] {strides = array<i32>} : memref<128x128xf32, #tpu.memory_space<vmem>>, vector<1x16xf32>,
        %parallel_loop3A_219 = vector.shape_cast %parallel_loop3A_218 : vector<1x16xf32> to vector<16xf32>
        %parallel_loop3A_220 = vector.shape_cast %parallel_loop3A_215 : vector<16xf32> to vector<1x16xf32>
        tpu.vector_store %arg10[%parallel_loop3A_216, %parallel_loop3A_217], %parallel_loop3A_220 {strides = array<i32>} : memref<128x128xf32, #tpu.memory_space<vmem>>, vector<1x16xf32>,
        %parallel_loop3A_221 = arith.index_cast %parallel_loop3A_160 : i32 to index
        %parallel_loop3A_222 = arith.constant 80 : index
        %parallel_loop3A_223 = tpu.vector_load %arg7[%parallel_loop3A_221, %parallel_loop3A_222] {strides = array<i32>} : memref<128x128xf32, #tpu.memory_space<vmem>>, vector<1x16xf32>,
        %parallel_loop3A_224 = vector.shape_cast %parallel_loop3A_223 : vector<1x16xf32> to vector<16xf32>
        %parallel_loop3A_225 = arith.constant 11.3137083 : f32
        %parallel_loop3A_226 = vector.broadcast %parallel_loop3A_225 : f32 to vector<16xf32>
        %parallel_loop3A_227 = arith.mulf %parallel_loop3A_224, %parallel_loop3A_226 : vector<16xf32>
        %parallel_loop3A_228 = arith.index_cast %parallel_loop3A_160 : i32 to index
        %parallel_loop3A_229 = arith.constant 80 : index
        %parallel_loop3A_230 = tpu.vector_load %arg10[%parallel_loop3A_228, %parallel_loop3A_229] {strides = array<i32>} : memref<128x128xf32, #tpu.memory_space<vmem>>, vector<1x16xf32>,
        %parallel_loop3A_231 = vector.shape_cast %parallel_loop3A_230 : vector<1x16xf32> to vector<16xf32>
        %parallel_loop3A_232 = vector.shape_cast %parallel_loop3A_227 : vector<16xf32> to vector<1x16xf32>
        tpu.vector_store %arg10[%parallel_loop3A_228, %parallel_loop3A_229], %parallel_loop3A_232 {strides = array<i32>} : memref<128x128xf32, #tpu.memory_space<vmem>>, vector<1x16xf32>,
        %parallel_loop3A_233 = arith.index_cast %parallel_loop3A_160 : i32 to index
        %parallel_loop3A_234 = arith.constant 96 : index
        %parallel_loop3A_235 = tpu.vector_load %arg7[%parallel_loop3A_233, %parallel_loop3A_234] {strides = array<i32>} : memref<128x128xf32, #tpu.memory_space<vmem>>, vector<1x16xf32>,
        %parallel_loop3A_236 = vector.shape_cast %parallel_loop3A_235 : vector<1x16xf32> to vector<16xf32>
        %parallel_loop3A_237 = arith.constant 11.3137083 : f32
        %parallel_loop3A_238 = vector.broadcast %parallel_loop3A_237 : f32 to vector<16xf32>
        %parallel_loop3A_239 = arith.mulf %parallel_loop3A_236, %parallel_loop3A_238 : vector<16xf32>
        %parallel_loop3A_240 = arith.index_cast %parallel_loop3A_160 : i32 to index
        %parallel_loop3A_241 = arith.constant 96 : index
        %parallel_loop3A_242 = tpu.vector_load %arg10[%parallel_loop3A_240, %parallel_loop3A_241] {strides = array<i32>} : memref<128x128xf32, #tpu.memory_space<vmem>>, vector<1x16xf32>,
        %parallel_loop3A_243 = vector.shape_cast %parallel_loop3A_242 : vector<1x16xf32> to vector<16xf32>
        %parallel_loop3A_244 = vector.shape_cast %parallel_loop3A_239 : vector<16xf32> to vector<1x16xf32>
        tpu.vector_store %arg10[%parallel_loop3A_240, %parallel_loop3A_241], %parallel_loop3A_244 {strides = array<i32>} : memref<128x128xf32, #tpu.memory_space<vmem>>, vector<1x16xf32>,
        %parallel_loop3A_245 = arith.index_cast %parallel_loop3A_160 : i32 to index
        %parallel_loop3A_246 = arith.constant 112 : index
        %parallel_loop3A_247 = tpu.vector_load %arg7[%parallel_loop3A_245, %parallel_loop3A_246] {strides = array<i32>} : memref<128x128xf32, #tpu.memory_space<vmem>>, vector<1x16xf32>,
        %parallel_loop3A_248 = vector.shape_cast %parallel_loop3A_247 : vector<1x16xf32> to vector<16xf32>
        %parallel_loop3A_249 = arith.constant 11.3137083 : f32
        %parallel_loop3A_250 = vector.broadcast %parallel_loop3A_249 : f32 to vector<16xf32>
        %parallel_loop3A_251 = arith.mulf %parallel_loop3A_248, %parallel_loop3A_250 : vector<16xf32>
        %parallel_loop3A_252 = arith.index_cast %parallel_loop3A_160 : i32 to index
        %parallel_loop3A_253 = arith.constant 112 : index
        %parallel_loop3A_254 = tpu.vector_load %arg10[%parallel_loop3A_252, %parallel_loop3A_253] {strides = array<i32>} : memref<128x128xf32, #tpu.memory_space<vmem>>, vector<1x16xf32>,
        %parallel_loop3A_255 = vector.shape_cast %parallel_loop3A_254 : vector<1x16xf32> to vector<16xf32>
        %parallel_loop3A_256 = vector.shape_cast %parallel_loop3A_251 : vector<16xf32> to vector<1x16xf32>
        tpu.vector_store %arg10[%parallel_loop3A_252, %parallel_loop3A_253], %parallel_loop3A_256 {strides = array<i32>} : memref<128x128xf32, #tpu.memory_space<vmem>>, vector<1x16xf32>,
      } {sc.loop_unroll_factor = 4 : i64, sc.parallel_access}
      %add3A_116 = arith.constant 3 : i32
      %add3A_117 = arith.addi %add3A_101, %add3A_116 : i32
      %mul3A_118 = arith.constant 128 : i32
      %mul3A_119 = arith.muli %add3A_117, %mul3A_118 : i32
      %dma_start3A_120 = tpu.memref_slice %arg5[%mul3A_119] : memref<6400xi32, #tpu.memory_space<vmem>> -> memref<128xi32, #tpu.memory_space<vmem>>
      %dma_start3A_121 = arith.constant 0 : i32
      %dma_start3A_122 = arith.constant 0 : i32
      %dma_start3A_123 = tpu.memref_slice %arg2[%dma_start3A_121, %dma_start3A_122] : memref<1000000x128xf32, #tpu.memory_space<hbm>> -> memref<1000000x128xf32, #tpu.memory_space<hbm>>
      tpu.enqueue_indirect_dma source(%dma_start3A_123 : memref<1000000x128xf32, #tpu.memory_space<hbm>>) target(%arg7 : memref<128x128xf32, #tpu.memory_space<vmem>>) offsets(%dma_start3A_120 : memref<128xi32, #tpu.memory_space<vmem>>) semaphore(%arg13 : memref<!tpu.dma_semaphore, #tpu.memory_space<semaphore_mem>>)
      %mul3A_124 = arith.constant 128 : i32
      %mul3A_125 = arith.muli %add3A_101, %mul3A_124 : i32
      %add3A_126 = arith.addi %mul3A_2, %mul3A_125 : i32
      %dma_start3A_127 = arith.constant 0 : i32
      %dma_start3A_128 = tpu.memref_slice %arg4[%add3A_126, %dma_start3A_127] : memref<204800x128xf32, #tpu.memory_space<hbm>> -> memref<128x128xf32, #tpu.memory_space<hbm>>
      %dma_start3A_129 = arith.constant 0 : i32
      %dma_start3A_130 = tpu.memref_slice %arg4[%add3A_126, %dma_start3A_129] : memref<204800x128xf32, #tpu.memory_space<hbm>> -> memref<128x128xf32, #tpu.memory_space<hbm>>
      tpu.enqueue_dma source(%arg10 : memref<128x128xf32, #tpu.memory_space<vmem>>) target(%dma_start3A_130 : memref<128x128xf32, #tpu.memory_space<hbm>>) target_semaphore(%arg16 : memref<!tpu.dma_semaphore, #tpu.memory_space<semaphore_mem>>)
      %add3A_131 = arith.constant 2 : i32
      %add3A_132 = arith.addi %add3A_71, %add3A_131 : i32
      %mul3A_133 = arith.constant 128 : i32
      %mul3A_134 = arith.muli %add3A_132, %mul3A_133 : i32
      %dma_wait3A_135 = tpu.memref_slice %arg5[%mul3A_134] : memref<6400xi32, #tpu.memory_space<vmem>> -> memref<128xi32, #tpu.memory_space<vmem>>
      %dma_wait3A_136 = arith.constant 0 : i32
      %dma_wait3A_137 = arith.constant 0 : i32
      %dma_wait3A_138 = tpu.memref_slice %arg2[%dma_wait3A_136, %dma_wait3A_137] : memref<1000000x128xf32, #tpu.memory_space<hbm>> -> memref<1000000x128xf32, #tpu.memory_space<hbm>>
      tpu.wait_indirect_dma semaphore(%arg14 : memref<!tpu.dma_semaphore, #tpu.memory_space<semaphore_mem>>) src(%dma_wait3A_138 : memref<1000000x128xf32, #tpu.memory_space<hbm>>) dst(%arg8 : memref<128x128xf32, #tpu.memory_space<vmem>>)
      %ge3A_139 = arith.constant 3 : i32
      %ge3A_140 = arith.cmpi sge, %add3A_132, %ge3A_139 : i32
      %convert_element_type3A_141 = arith.extui %ge3A_140 : i1 to i32
      %cond3A_142 = arith.constant 0 : i32
      %cond3A_143 = arith.cmpi ne, %convert_element_type3A_141, %cond3A_142 : i32
      scf.if %cond3A_143 {
        %dma_wait3A_160 = arith.constant 0 : i32
        %dma_wait3A_161 = tpu.memref_slice %arg4[%mul3A_2, %dma_wait3A_160] : memref<204800x128xf32, #tpu.memory_space<hbm>> -> memref<128x128xf32, #tpu.memory_space<hbm>>
        %dma_wait3A_162 = arith.constant 0 : i32
        %dma_wait3A_163 = tpu.memref_slice %arg4[%mul3A_2, %dma_wait3A_162] : memref<204800x128xf32, #tpu.memory_space<hbm>> -> memref<128x128xf32, #tpu.memory_space<hbm>>
        tpu.wait_dma2 semaphore(%arg17 : memref<!tpu.dma_semaphore, #tpu.memory_space<semaphore_mem>>) src(%arg11 : memref<128x128xf32, #tpu.memory_space<vmem>>) dst(%dma_wait3A_163 : memref<128x128xf32, #tpu.memory_space<hbm>>)
      } else {
      }
      %parallel_loop3A_144 = arith.constant 0 : i32
      %parallel_loop3A_145 = arith.constant 128 : i32
      %parallel_loop3A_146 = arith.constant 1 : i32
      scf.for %parallel_loop3A_160 = %parallel_loop3A_144 to %parallel_loop3A_145 step %parallel_loop3A_146  : i32 {
        %parallel_loop3A_161 = arith.index_cast %parallel_loop3A_160 : i32 to index
        %parallel_loop3A_162 = arith.constant 0 : index
        %parallel_loop3A_163 = tpu.vector_load %arg8[%parallel_loop3A_161, %parallel_loop3A_162] {strides = array<i32>} : memref<128x128xf32, #tpu.memory_space<vmem>>, vector<1x16xf32>,
        %parallel_loop3A_164 = vector.shape_cast %parallel_loop3A_163 : vector<1x16xf32> to vector<16xf32>
        %parallel_loop3A_165 = arith.constant 11.3137083 : f32
        %parallel_loop3A_166 = vector.broadcast %parallel_loop3A_165 : f32 to vector<16xf32>
        %parallel_loop3A_167 = arith.mulf %parallel_loop3A_164, %parallel_loop3A_166 : vector<16xf32>
        %parallel_loop3A_168 = arith.index_cast %parallel_loop3A_160 : i32 to index
        %parallel_loop3A_169 = arith.constant 0 : index
        %parallel_loop3A_170 = tpu.vector_load %arg11[%parallel_loop3A_168, %parallel_loop3A_169] {strides = array<i32>} : memref<128x128xf32, #tpu.memory_space<vmem>>, vector<1x16xf32>,
        %parallel_loop3A_171 = vector.shape_cast %parallel_loop3A_170 : vector<1x16xf32> to vector<16xf32>
        %parallel_loop3A_172 = vector.shape_cast %parallel_loop3A_167 : vector<16xf32> to vector<1x16xf32>
        tpu.vector_store %arg11[%parallel_loop3A_168, %parallel_loop3A_169], %parallel_loop3A_172 {strides = array<i32>} : memref<128x128xf32, #tpu.memory_space<vmem>>, vector<1x16xf32>,
        %parallel_loop3A_173 = arith.index_cast %parallel_loop3A_160 : i32 to index
        %parallel_loop3A_174 = arith.constant 16 : index
        %parallel_loop3A_175 = tpu.vector_load %arg8[%parallel_loop3A_173, %parallel_loop3A_174] {strides = array<i32>} : memref<128x128xf32, #tpu.memory_space<vmem>>, vector<1x16xf32>,
        %parallel_loop3A_176 = vector.shape_cast %parallel_loop3A_175 : vector<1x16xf32> to vector<16xf32>
        %parallel_loop3A_177 = arith.constant 11.3137083 : f32
        %parallel_loop3A_178 = vector.broadcast %parallel_loop3A_177 : f32 to vector<16xf32>
        %parallel_loop3A_179 = arith.mulf %parallel_loop3A_176, %parallel_loop3A_178 : vector<16xf32>
        %parallel_loop3A_180 = arith.index_cast %parallel_loop3A_160 : i32 to index
        %parallel_loop3A_181 = arith.constant 16 : index
        %parallel_loop3A_182 = tpu.vector_load %arg11[%parallel_loop3A_180, %parallel_loop3A_181] {strides = array<i32>} : memref<128x128xf32, #tpu.memory_space<vmem>>, vector<1x16xf32>,
        %parallel_loop3A_183 = vector.shape_cast %parallel_loop3A_182 : vector<1x16xf32> to vector<16xf32>
        %parallel_loop3A_184 = vector.shape_cast %parallel_loop3A_179 : vector<16xf32> to vector<1x16xf32>
        tpu.vector_store %arg11[%parallel_loop3A_180, %parallel_loop3A_181], %parallel_loop3A_184 {strides = array<i32>} : memref<128x128xf32, #tpu.memory_space<vmem>>, vector<1x16xf32>,
        %parallel_loop3A_185 = arith.index_cast %parallel_loop3A_160 : i32 to index
        %parallel_loop3A_186 = arith.constant 32 : index
        %parallel_loop3A_187 = tpu.vector_load %arg8[%parallel_loop3A_185, %parallel_loop3A_186] {strides = array<i32>} : memref<128x128xf32, #tpu.memory_space<vmem>>, vector<1x16xf32>,
        %parallel_loop3A_188 = vector.shape_cast %parallel_loop3A_187 : vector<1x16xf32> to vector<16xf32>
        %parallel_loop3A_189 = arith.constant 11.3137083 : f32
        %parallel_loop3A_190 = vector.broadcast %parallel_loop3A_189 : f32 to vector<16xf32>
        %parallel_loop3A_191 = arith.mulf %parallel_loop3A_188, %parallel_loop3A_190 : vector<16xf32>
        %parallel_loop3A_192 = arith.index_cast %parallel_loop3A_160 : i32 to index
        %parallel_loop3A_193 = arith.constant 32 : index
        %parallel_loop3A_194 = tpu.vector_load %arg11[%parallel_loop3A_192, %parallel_loop3A_193] {strides = array<i32>} : memref<128x128xf32, #tpu.memory_space<vmem>>, vector<1x16xf32>,
        %parallel_loop3A_195 = vector.shape_cast %parallel_loop3A_194 : vector<1x16xf32> to vector<16xf32>
        %parallel_loop3A_196 = vector.shape_cast %parallel_loop3A_191 : vector<16xf32> to vector<1x16xf32>
        tpu.vector_store %arg11[%parallel_loop3A_192, %parallel_loop3A_193], %parallel_loop3A_196 {strides = array<i32>} : memref<128x128xf32, #tpu.memory_space<vmem>>, vector<1x16xf32>,
        %parallel_loop3A_197 = arith.index_cast %parallel_loop3A_160 : i32 to index
        %parallel_loop3A_198 = arith.constant 48 : index
        %parallel_loop3A_199 = tpu.vector_load %arg8[%parallel_loop3A_197, %parallel_loop3A_198] {strides = array<i32>} : memref<128x128xf32, #tpu.memory_space<vmem>>, vector<1x16xf32>,
        %parallel_loop3A_200 = vector.shape_cast %parallel_loop3A_199 : vector<1x16xf32> to vector<16xf32>
        %parallel_loop3A_201 = arith.constant 11.3137083 : f32
        %parallel_loop3A_202 = vector.broadcast %parallel_loop3A_201 : f32 to vector<16xf32>
        %parallel_loop3A_203 = arith.mulf %parallel_loop3A_200, %parallel_loop3A_202 : vector<16xf32>
        %parallel_loop3A_204 = arith.index_cast %parallel_loop3A_160 : i32 to index
        %parallel_loop3A_205 = arith.constant 48 : index
        %parallel_loop3A_206 = tpu.vector_load %arg11[%parallel_loop3A_204, %parallel_loop3A_205] {strides = array<i32>} : memref<128x128xf32, #tpu.memory_space<vmem>>, vector<1x16xf32>,
        %parallel_loop3A_207 = vector.shape_cast %parallel_loop3A_206 : vector<1x16xf32> to vector<16xf32>
        %parallel_loop3A_208 = vector.shape_cast %parallel_loop3A_203 : vector<16xf32> to vector<1x16xf32>
        tpu.vector_store %arg11[%parallel_loop3A_204, %parallel_loop3A_205], %parallel_loop3A_208 {strides = array<i32>} : memref<128x128xf32, #tpu.memory_space<vmem>>, vector<1x16xf32>,
        %parallel_loop3A_209 = arith.index_cast %parallel_loop3A_160 : i32 to index
        %parallel_loop3A_210 = arith.constant 64 : index
        %parallel_loop3A_211 = tpu.vector_load %arg8[%parallel_loop3A_209, %parallel_loop3A_210] {strides = array<i32>} : memref<128x128xf32, #tpu.memory_space<vmem>>, vector<1x16xf32>,
        %parallel_loop3A_212 = vector.shape_cast %parallel_loop3A_211 : vector<1x16xf32> to vector<16xf32>
        %parallel_loop3A_213 = arith.constant 11.3137083 : f32
        %parallel_loop3A_214 = vector.broadcast %parallel_loop3A_213 : f32 to vector<16xf32>
        %parallel_loop3A_215 = arith.mulf %parallel_loop3A_212, %parallel_loop3A_214 : vector<16xf32>
        %parallel_loop3A_216 = arith.index_cast %parallel_loop3A_160 : i32 to index
        %parallel_loop3A_217 = arith.constant 64 : index
        %parallel_loop3A_218 = tpu.vector_load %arg11[%parallel_loop3A_216, %parallel_loop3A_217] {strides = array<i32>} : memref<128x128xf32, #tpu.memory_space<vmem>>, vector<1x16xf32>,
        %parallel_loop3A_219 = vector.shape_cast %parallel_loop3A_218 : vector<1x16xf32> to vector<16xf32>
        %parallel_loop3A_220 = vector.shape_cast %parallel_loop3A_215 : vector<16xf32> to vector<1x16xf32>
        tpu.vector_store %arg11[%parallel_loop3A_216, %parallel_loop3A_217], %parallel_loop3A_220 {strides = array<i32>} : memref<128x128xf32, #tpu.memory_space<vmem>>, vector<1x16xf32>,
        %parallel_loop3A_221 = arith.index_cast %parallel_loop3A_160 : i32 to index
        %parallel_loop3A_222 = arith.constant 80 : index
        %parallel_loop3A_223 = tpu.vector_load %arg8[%parallel_loop3A_221, %parallel_loop3A_222] {strides = array<i32>} : memref<128x128xf32, #tpu.memory_space<vmem>>, vector<1x16xf32>,
        %parallel_loop3A_224 = vector.shape_cast %parallel_loop3A_223 : vector<1x16xf32> to vector<16xf32>
        %parallel_loop3A_225 = arith.constant 11.3137083 : f32
        %parallel_loop3A_226 = vector.broadcast %parallel_loop3A_225 : f32 to vector<16xf32>
        %parallel_loop3A_227 = arith.mulf %parallel_loop3A_224, %parallel_loop3A_226 : vector<16xf32>
        %parallel_loop3A_228 = arith.index_cast %parallel_loop3A_160 : i32 to index
        %parallel_loop3A_229 = arith.constant 80 : index
        %parallel_loop3A_230 = tpu.vector_load %arg11[%parallel_loop3A_228, %parallel_loop3A_229] {strides = array<i32>} : memref<128x128xf32, #tpu.memory_space<vmem>>, vector<1x16xf32>,
        %parallel_loop3A_231 = vector.shape_cast %parallel_loop3A_230 : vector<1x16xf32> to vector<16xf32>
        %parallel_loop3A_232 = vector.shape_cast %parallel_loop3A_227 : vector<16xf32> to vector<1x16xf32>
        tpu.vector_store %arg11[%parallel_loop3A_228, %parallel_loop3A_229], %parallel_loop3A_232 {strides = array<i32>} : memref<128x128xf32, #tpu.memory_space<vmem>>, vector<1x16xf32>,
        %parallel_loop3A_233 = arith.index_cast %parallel_loop3A_160 : i32 to index
        %parallel_loop3A_234 = arith.constant 96 : index
        %parallel_loop3A_235 = tpu.vector_load %arg8[%parallel_loop3A_233, %parallel_loop3A_234] {strides = array<i32>} : memref<128x128xf32, #tpu.memory_space<vmem>>, vector<1x16xf32>,
        %parallel_loop3A_236 = vector.shape_cast %parallel_loop3A_235 : vector<1x16xf32> to vector<16xf32>
        %parallel_loop3A_237 = arith.constant 11.3137083 : f32
        %parallel_loop3A_238 = vector.broadcast %parallel_loop3A_237 : f32 to vector<16xf32>
        %parallel_loop3A_239 = arith.mulf %parallel_loop3A_236, %parallel_loop3A_238 : vector<16xf32>
        %parallel_loop3A_240 = arith.index_cast %parallel_loop3A_160 : i32 to index
        %parallel_loop3A_241 = arith.constant 96 : index
        %parallel_loop3A_242 = tpu.vector_load %arg11[%parallel_loop3A_240, %parallel_loop3A_241] {strides = array<i32>} : memref<128x128xf32, #tpu.memory_space<vmem>>, vector<1x16xf32>,
        %parallel_loop3A_243 = vector.shape_cast %parallel_loop3A_242 : vector<1x16xf32> to vector<16xf32>
        %parallel_loop3A_244 = vector.shape_cast %parallel_loop3A_239 : vector<16xf32> to vector<1x16xf32>
        tpu.vector_store %arg11[%parallel_loop3A_240, %parallel_loop3A_241], %parallel_loop3A_244 {strides = array<i32>} : memref<128x128xf32, #tpu.memory_space<vmem>>, vector<1x16xf32>,
        %parallel_loop3A_245 = arith.index_cast %parallel_loop3A_160 : i32 to index
        %parallel_loop3A_246 = arith.constant 112 : index
        %parallel_loop3A_247 = tpu.vector_load %arg8[%parallel_loop3A_245, %parallel_loop3A_246] {strides = array<i32>} : memref<128x128xf32, #tpu.memory_space<vmem>>, vector<1x16xf32>,
        %parallel_loop3A_248 = vector.shape_cast %parallel_loop3A_247 : vector<1x16xf32> to vector<16xf32>
        %parallel_loop3A_249 = arith.constant 11.3137083 : f32
        %parallel_loop3A_250 = vector.broadcast %parallel_loop3A_249 : f32 to vector<16xf32>
        %parallel_loop3A_251 = arith.mulf %parallel_loop3A_248, %parallel_loop3A_250 : vector<16xf32>
        %parallel_loop3A_252 = arith.index_cast %parallel_loop3A_160 : i32 to index
        %parallel_loop3A_253 = arith.constant 112 : index
        %parallel_loop3A_254 = tpu.vector_load %arg11[%parallel_loop3A_252, %parallel_loop3A_253] {strides = array<i32>} : memref<128x128xf32, #tpu.memory_space<vmem>>, vector<1x16xf32>,
        %parallel_loop3A_255 = vector.shape_cast %parallel_loop3A_254 : vector<1x16xf32> to vector<16xf32>
        %parallel_loop3A_256 = vector.shape_cast %parallel_loop3A_251 : vector<16xf32> to vector<1x16xf32>
        tpu.vector_store %arg11[%parallel_loop3A_252, %parallel_loop3A_253], %parallel_loop3A_256 {strides = array<i32>} : memref<128x128xf32, #tpu.memory_space<vmem>>, vector<1x16xf32>,
      } {sc.loop_unroll_factor = 4 : i64, sc.parallel_access}
      %add3A_147 = arith.constant 3 : i32
      %add3A_148 = arith.addi %add3A_132, %add3A_147 : i32
      %lt3A = arith.constant 50 : i32
      %lt3A_149 = arith.cmpi slt, %add3A_148, %lt3A : i32
      %convert_element_type3A_150 = arith.extui %lt3A_149 : i1 to i32
      %cond3A_151 = arith.constant 0 : i32
      %cond3A_152 = arith.cmpi ne, %convert_element_type3A_150, %cond3A_151 : i32
      scf.if %cond3A_152 {
        %add3A_160 = arith.constant 3 : i32
        %add3A_161 = arith.addi %add3A_132, %add3A_160 : i32
        %mul3A_162 = arith.constant 128 : i32
        %mul3A_163 = arith.muli %add3A_161, %mul3A_162 : i32
        %dma_start3A_164 = tpu.memref_slice %arg5[%mul3A_163] : memref<6400xi32, #tpu.memory_space<vmem>> -> memref<128xi32, #tpu.memory_space<vmem>>
        %dma_start3A_165 = arith.constant 0 : i32
        %dma_start3A_166 = arith.constant 0 : i32
        %dma_start3A_167 = tpu.memref_slice %arg2[%dma_start3A_165, %dma_start3A_166] : memref<1000000x128xf32, #tpu.memory_space<hbm>> -> memref<1000000x128xf32, #tpu.memory_space<hbm>>
        tpu.enqueue_indirect_dma source(%dma_start3A_167 : memref<1000000x128xf32, #tpu.memory_space<hbm>>) target(%arg8 : memref<128x128xf32, #tpu.memory_space<vmem>>) offsets(%dma_start3A_164 : memref<128xi32, #tpu.memory_space<vmem>>) semaphore(%arg14 : memref<!tpu.dma_semaphore, #tpu.memory_space<semaphore_mem>>)
      } else {
      }
      %mul3A_153 = arith.constant 128 : i32
      %mul3A_154 = arith.muli %add3A_132, %mul3A_153 : i32
      %add3A_155 = arith.addi %mul3A_2, %mul3A_154 : i32
      %dma_start3A_156 = arith.constant 0 : i32
      %dma_start3A_157 = tpu.memref_slice %arg4[%add3A_155, %dma_start3A_156] : memref<204800x128xf32, #tpu.memory_space<hbm>> -> memref<128x128xf32, #tpu.memory_space<hbm>>
      %dma_start3A_158 = arith.constant 0 : i32
      %dma_start3A_159 = tpu.memref_slice %arg4[%add3A_155, %dma_start3A_158] : memref<204800x128xf32, #tpu.memory_space<hbm>> -> memref<128x128xf32, #tpu.memory_space<hbm>>
      tpu.enqueue_dma source(%arg11 : memref<128x128xf32, #tpu.memory_space<vmem>>) target(%dma_start3A_159 : memref<128x128xf32, #tpu.memory_space<hbm>>) target_semaphore(%arg17 : memref<!tpu.dma_semaphore, #tpu.memory_space<semaphore_mem>>)
    }
    %scan3A_20 = arith.constant 16 : i32
    %dma_wait3A = arith.constant 6144 : i32
    %dma_wait3A_21 = tpu.memref_slice %arg5[%dma_wait3A] : memref<6400xi32, #tpu.memory_space<vmem>> -> memref<128xi32, #tpu.memory_space<vmem>>
    %dma_wait3A_22 = arith.constant 0 : i32
    %dma_wait3A_23 = arith.constant 0 : i32
    %dma_wait3A_24 = tpu.memref_slice %arg2[%dma_wait3A_22, %dma_wait3A_23] : memref<1000000x128xf32, #tpu.memory_space<hbm>> -> memref<1000000x128xf32, #tpu.memory_space<hbm>>
    tpu.wait_indirect_dma semaphore(%arg12 : memref<!tpu.dma_semaphore, #tpu.memory_space<semaphore_mem>>) src(%dma_wait3A_24 : memref<1000000x128xf32, #tpu.memory_space<hbm>>) dst(%arg6 : memref<128x128xf32, #tpu.memory_space<vmem>>)
    %dma_wait3A_25 = arith.constant 0 : i32
    %dma_wait3A_26 = tpu.memref_slice %arg4[%mul3A_2, %dma_wait3A_25] : memref<204800x128xf32, #tpu.memory_space<hbm>> -> memref<128x128xf32, #tpu.memory_space<hbm>>
    %dma_wait3A_27 = arith.constant 0 : i32
    %dma_wait3A_28 = tpu.memref_slice %arg4[%mul3A_2, %dma_wait3A_27] : memref<204800x128xf32, #tpu.memory_space<hbm>> -> memref<128x128xf32, #tpu.memory_space<hbm>>
    tpu.wait_dma2 semaphore(%arg15 : memref<!tpu.dma_semaphore, #tpu.memory_space<semaphore_mem>>) src(%arg9 : memref<128x128xf32, #tpu.memory_space<vmem>>) dst(%dma_wait3A_28 : memref<128x128xf32, #tpu.memory_space<hbm>>)
    %parallel_loop3A = arith.constant 0 : i32
    %parallel_loop3A_29 = arith.constant 128 : i32
    %parallel_loop3A_30 = arith.constant 1 : i32
    scf.for %parallel_loop3A_67 = %parallel_loop3A to %parallel_loop3A_29 step %parallel_loop3A_30  : i32 {
      %parallel_loop3A_68 = arith.index_cast %parallel_loop3A_67 : i32 to index
      %parallel_loop3A_69 = arith.constant 0 : index
      %parallel_loop3A_70 = tpu.vector_load %arg6[%parallel_loop3A_68, %parallel_loop3A_69] {strides = array<i32>} : memref<128x128xf32, #tpu.memory_space<vmem>>, vector<1x16xf32>,
      %parallel_loop3A_71 = vector.shape_cast %parallel_loop3A_70 : vector<1x16xf32> to vector<16xf32>
      %parallel_loop3A_72 = arith.constant 11.3137083 : f32
      %parallel_loop3A_73 = vector.broadcast %parallel_loop3A_72 : f32 to vector<16xf32>
      %parallel_loop3A_74 = arith.mulf %parallel_loop3A_71, %parallel_loop3A_73 : vector<16xf32>
      %parallel_loop3A_75 = arith.index_cast %parallel_loop3A_67 : i32 to index
      %parallel_loop3A_76 = arith.constant 0 : index
      %parallel_loop3A_77 = tpu.vector_load %arg9[%parallel_loop3A_75, %parallel_loop3A_76] {strides = array<i32>} : memref<128x128xf32, #tpu.memory_space<vmem>>, vector<1x16xf32>,
      %parallel_loop3A_78 = vector.shape_cast %parallel_loop3A_77 : vector<1x16xf32> to vector<16xf32>
      %parallel_loop3A_79 = vector.shape_cast %parallel_loop3A_74 : vector<16xf32> to vector<1x16xf32>
      tpu.vector_store %arg9[%parallel_loop3A_75, %parallel_loop3A_76], %parallel_loop3A_79 {strides = array<i32>} : memref<128x128xf32, #tpu.memory_space<vmem>>, vector<1x16xf32>,
      %parallel_loop3A_80 = arith.index_cast %parallel_loop3A_67 : i32 to index
      %parallel_loop3A_81 = arith.constant 16 : index
      %parallel_loop3A_82 = tpu.vector_load %arg6[%parallel_loop3A_80, %parallel_loop3A_81] {strides = array<i32>} : memref<128x128xf32, #tpu.memory_space<vmem>>, vector<1x16xf32>,
      %parallel_loop3A_83 = vector.shape_cast %parallel_loop3A_82 : vector<1x16xf32> to vector<16xf32>
      %parallel_loop3A_84 = arith.constant 11.3137083 : f32
      %parallel_loop3A_85 = vector.broadcast %parallel_loop3A_84 : f32 to vector<16xf32>
      %parallel_loop3A_86 = arith.mulf %parallel_loop3A_83, %parallel_loop3A_85 : vector<16xf32>
      %parallel_loop3A_87 = arith.index_cast %parallel_loop3A_67 : i32 to index
      %parallel_loop3A_88 = arith.constant 16 : index
      %parallel_loop3A_89 = tpu.vector_load %arg9[%parallel_loop3A_87, %parallel_loop3A_88] {strides = array<i32>} : memref<128x128xf32, #tpu.memory_space<vmem>>, vector<1x16xf32>,
      %parallel_loop3A_90 = vector.shape_cast %parallel_loop3A_89 : vector<1x16xf32> to vector<16xf32>
      %parallel_loop3A_91 = vector.shape_cast %parallel_loop3A_86 : vector<16xf32> to vector<1x16xf32>
      tpu.vector_store %arg9[%parallel_loop3A_87, %parallel_loop3A_88], %parallel_loop3A_91 {strides = array<i32>} : memref<128x128xf32, #tpu.memory_space<vmem>>, vector<1x16xf32>,
      %parallel_loop3A_92 = arith.index_cast %parallel_loop3A_67 : i32 to index
      %parallel_loop3A_93 = arith.constant 32 : index
      %parallel_loop3A_94 = tpu.vector_load %arg6[%parallel_loop3A_92, %parallel_loop3A_93] {strides = array<i32>} : memref<128x128xf32, #tpu.memory_space<vmem>>, vector<1x16xf32>,
      %parallel_loop3A_95 = vector.shape_cast %parallel_loop3A_94 : vector<1x16xf32> to vector<16xf32>
      %parallel_loop3A_96 = arith.constant 11.3137083 : f32
      %parallel_loop3A_97 = vector.broadcast %parallel_loop3A_96 : f32 to vector<16xf32>
      %parallel_loop3A_98 = arith.mulf %parallel_loop3A_95, %parallel_loop3A_97 : vector<16xf32>
      %parallel_loop3A_99 = arith.index_cast %parallel_loop3A_67 : i32 to index
      %parallel_loop3A_100 = arith.constant 32 : index
      %parallel_loop3A_101 = tpu.vector_load %arg9[%parallel_loop3A_99, %parallel_loop3A_100] {strides = array<i32>} : memref<128x128xf32, #tpu.memory_space<vmem>>, vector<1x16xf32>,
      %parallel_loop3A_102 = vector.shape_cast %parallel_loop3A_101 : vector<1x16xf32> to vector<16xf32>
      %parallel_loop3A_103 = vector.shape_cast %parallel_loop3A_98 : vector<16xf32> to vector<1x16xf32>
      tpu.vector_store %arg9[%parallel_loop3A_99, %parallel_loop3A_100], %parallel_loop3A_103 {strides = array<i32>} : memref<128x128xf32, #tpu.memory_space<vmem>>, vector<1x16xf32>,
      %parallel_loop3A_104 = arith.index_cast %parallel_loop3A_67 : i32 to index
      %parallel_loop3A_105 = arith.constant 48 : index
      %parallel_loop3A_106 = tpu.vector_load %arg6[%parallel_loop3A_104, %parallel_loop3A_105] {strides = array<i32>} : memref<128x128xf32, #tpu.memory_space<vmem>>, vector<1x16xf32>,
      %parallel_loop3A_107 = vector.shape_cast %parallel_loop3A_106 : vector<1x16xf32> to vector<16xf32>
      %parallel_loop3A_108 = arith.constant 11.3137083 : f32
      %parallel_loop3A_109 = vector.broadcast %parallel_loop3A_108 : f32 to vector<16xf32>
      %parallel_loop3A_110 = arith.mulf %parallel_loop3A_107, %parallel_loop3A_109 : vector<16xf32>
      %parallel_loop3A_111 = arith.index_cast %parallel_loop3A_67 : i32 to index
      %parallel_loop3A_112 = arith.constant 48 : index
      %parallel_loop3A_113 = tpu.vector_load %arg9[%parallel_loop3A_111, %parallel_loop3A_112] {strides = array<i32>} : memref<128x128xf32, #tpu.memory_space<vmem>>, vector<1x16xf32>,
      %parallel_loop3A_114 = vector.shape_cast %parallel_loop3A_113 : vector<1x16xf32> to vector<16xf32>
      %parallel_loop3A_115 = vector.shape_cast %parallel_loop3A_110 : vector<16xf32> to vector<1x16xf32>
      tpu.vector_store %arg9[%parallel_loop3A_111, %parallel_loop3A_112], %parallel_loop3A_115 {strides = array<i32>} : memref<128x128xf32, #tpu.memory_space<vmem>>, vector<1x16xf32>,
      %parallel_loop3A_116 = arith.index_cast %parallel_loop3A_67 : i32 to index
      %parallel_loop3A_117 = arith.constant 64 : index
      %parallel_loop3A_118 = tpu.vector_load %arg6[%parallel_loop3A_116, %parallel_loop3A_117] {strides = array<i32>} : memref<128x128xf32, #tpu.memory_space<vmem>>, vector<1x16xf32>,
      %parallel_loop3A_119 = vector.shape_cast %parallel_loop3A_118 : vector<1x16xf32> to vector<16xf32>
      %parallel_loop3A_120 = arith.constant 11.3137083 : f32
      %parallel_loop3A_121 = vector.broadcast %parallel_loop3A_120 : f32 to vector<16xf32>
      %parallel_loop3A_122 = arith.mulf %parallel_loop3A_119, %parallel_loop3A_121 : vector<16xf32>
      %parallel_loop3A_123 = arith.index_cast %parallel_loop3A_67 : i32 to index
      %parallel_loop3A_124 = arith.constant 64 : index
      %parallel_loop3A_125 = tpu.vector_load %arg9[%parallel_loop3A_123, %parallel_loop3A_124] {strides = array<i32>} : memref<128x128xf32, #tpu.memory_space<vmem>>, vector<1x16xf32>,
      %parallel_loop3A_126 = vector.shape_cast %parallel_loop3A_125 : vector<1x16xf32> to vector<16xf32>
      %parallel_loop3A_127 = vector.shape_cast %parallel_loop3A_122 : vector<16xf32> to vector<1x16xf32>
      tpu.vector_store %arg9[%parallel_loop3A_123, %parallel_loop3A_124], %parallel_loop3A_127 {strides = array<i32>} : memref<128x128xf32, #tpu.memory_space<vmem>>, vector<1x16xf32>,
      %parallel_loop3A_128 = arith.index_cast %parallel_loop3A_67 : i32 to index
      %parallel_loop3A_129 = arith.constant 80 : index
      %parallel_loop3A_130 = tpu.vector_load %arg6[%parallel_loop3A_128, %parallel_loop3A_129] {strides = array<i32>} : memref<128x128xf32, #tpu.memory_space<vmem>>, vector<1x16xf32>,
      %parallel_loop3A_131 = vector.shape_cast %parallel_loop3A_130 : vector<1x16xf32> to vector<16xf32>
      %parallel_loop3A_132 = arith.constant 11.3137083 : f32
      %parallel_loop3A_133 = vector.broadcast %parallel_loop3A_132 : f32 to vector<16xf32>
      %parallel_loop3A_134 = arith.mulf %parallel_loop3A_131, %parallel_loop3A_133 : vector<16xf32>
      %parallel_loop3A_135 = arith.index_cast %parallel_loop3A_67 : i32 to index
      %parallel_loop3A_136 = arith.constant 80 : index
      %parallel_loop3A_137 = tpu.vector_load %arg9[%parallel_loop3A_135, %parallel_loop3A_136] {strides = array<i32>} : memref<128x128xf32, #tpu.memory_space<vmem>>, vector<1x16xf32>,
      %parallel_loop3A_138 = vector.shape_cast %parallel_loop3A_137 : vector<1x16xf32> to vector<16xf32>
      %parallel_loop3A_139 = vector.shape_cast %parallel_loop3A_134 : vector<16xf32> to vector<1x16xf32>
      tpu.vector_store %arg9[%parallel_loop3A_135, %parallel_loop3A_136], %parallel_loop3A_139 {strides = array<i32>} : memref<128x128xf32, #tpu.memory_space<vmem>>, vector<1x16xf32>,
      %parallel_loop3A_140 = arith.index_cast %parallel_loop3A_67 : i32 to index
      %parallel_loop3A_141 = arith.constant 96 : index
      %parallel_loop3A_142 = tpu.vector_load %arg6[%parallel_loop3A_140, %parallel_loop3A_141] {strides = array<i32>} : memref<128x128xf32, #tpu.memory_space<vmem>>, vector<1x16xf32>,
      %parallel_loop3A_143 = vector.shape_cast %parallel_loop3A_142 : vector<1x16xf32> to vector<16xf32>
      %parallel_loop3A_144 = arith.constant 11.3137083 : f32
      %parallel_loop3A_145 = vector.broadcast %parallel_loop3A_144 : f32 to vector<16xf32>
      %parallel_loop3A_146 = arith.mulf %parallel_loop3A_143, %parallel_loop3A_145 : vector<16xf32>
      %parallel_loop3A_147 = arith.index_cast %parallel_loop3A_67 : i32 to index
      %parallel_loop3A_148 = arith.constant 96 : index
      %parallel_loop3A_149 = tpu.vector_load %arg9[%parallel_loop3A_147, %parallel_loop3A_148] {strides = array<i32>} : memref<128x128xf32, #tpu.memory_space<vmem>>, vector<1x16xf32>,
      %parallel_loop3A_150 = vector.shape_cast %parallel_loop3A_149 : vector<1x16xf32> to vector<16xf32>
      %parallel_loop3A_151 = vector.shape_cast %parallel_loop3A_146 : vector<16xf32> to vector<1x16xf32>
      tpu.vector_store %arg9[%parallel_loop3A_147, %parallel_loop3A_148], %parallel_loop3A_151 {strides = array<i32>} : memref<128x128xf32, #tpu.memory_space<vmem>>, vector<1x16xf32>,
      %parallel_loop3A_152 = arith.index_cast %parallel_loop3A_67 : i32 to index
      %parallel_loop3A_153 = arith.constant 112 : index
      %parallel_loop3A_154 = tpu.vector_load %arg6[%parallel_loop3A_152, %parallel_loop3A_153] {strides = array<i32>} : memref<128x128xf32, #tpu.memory_space<vmem>>, vector<1x16xf32>,
      %parallel_loop3A_155 = vector.shape_cast %parallel_loop3A_154 : vector<1x16xf32> to vector<16xf32>
      %parallel_loop3A_156 = arith.constant 11.3137083 : f32
      %parallel_loop3A_157 = vector.broadcast %parallel_loop3A_156 : f32 to vector<16xf32>
      %parallel_loop3A_158 = arith.mulf %parallel_loop3A_155, %parallel_loop3A_157 : vector<16xf32>
      %parallel_loop3A_159 = arith.index_cast %parallel_loop3A_67 : i32 to index
      %parallel_loop3A_160 = arith.constant 112 : index
      %parallel_loop3A_161 = tpu.vector_load %arg9[%parallel_loop3A_159, %parallel_loop3A_160] {strides = array<i32>} : memref<128x128xf32, #tpu.memory_space<vmem>>, vector<1x16xf32>,
      %parallel_loop3A_162 = vector.shape_cast %parallel_loop3A_161 : vector<1x16xf32> to vector<16xf32>
      %parallel_loop3A_163 = vector.shape_cast %parallel_loop3A_158 : vector<16xf32> to vector<1x16xf32>
      tpu.vector_store %arg9[%parallel_loop3A_159, %parallel_loop3A_160], %parallel_loop3A_163 {strides = array<i32>} : memref<128x128xf32, #tpu.memory_space<vmem>>, vector<1x16xf32>,
    } {sc.loop_unroll_factor = 4 : i64, sc.parallel_access}
    %add3A_31 = arith.constant 6144 : i32
    %add3A_32 = arith.addi %mul3A_2, %add3A_31 : i32
    %dma_start3A_33 = arith.constant 0 : i32
    %dma_start3A_34 = tpu.memref_slice %arg4[%add3A_32, %dma_start3A_33] : memref<204800x128xf32, #tpu.memory_space<hbm>> -> memref<128x128xf32, #tpu.memory_space<hbm>>
    %dma_start3A_35 = arith.constant 0 : i32
    %dma_start3A_36 = tpu.memref_slice %arg4[%add3A_32, %dma_start3A_35] : memref<204800x128xf32, #tpu.memory_space<hbm>> -> memref<128x128xf32, #tpu.memory_space<hbm>>
    tpu.enqueue_dma source(%arg9 : memref<128x128xf32, #tpu.memory_space<vmem>>) target(%dma_start3A_36 : memref<128x128xf32, #tpu.memory_space<hbm>>) target_semaphore(%arg15 : memref<!tpu.dma_semaphore, #tpu.memory_space<semaphore_mem>>)
    %dma_wait3A_37 = arith.constant 6272 : i32
    %dma_wait3A_38 = tpu.memref_slice %arg5[%dma_wait3A_37] : memref<6400xi32, #tpu.memory_space<vmem>> -> memref<128xi32, #tpu.memory_space<vmem>>
    %dma_wait3A_39 = arith.constant 0 : i32
    %dma_wait3A_40 = arith.constant 0 : i32
    %dma_wait3A_41 = tpu.memref_slice %arg2[%dma_wait3A_39, %dma_wait3A_40] : memref<1000000x128xf32, #tpu.memory_space<hbm>> -> memref<1000000x128xf32, #tpu.memory_space<hbm>>
    tpu.wait_indirect_dma semaphore(%arg13 : memref<!tpu.dma_semaphore, #tpu.memory_space<semaphore_mem>>) src(%dma_wait3A_41 : memref<1000000x128xf32, #tpu.memory_space<hbm>>) dst(%arg7 : memref<128x128xf32, #tpu.memory_space<vmem>>)
    %dma_wait3A_42 = arith.constant 0 : i32
    %dma_wait3A_43 = tpu.memref_slice %arg4[%mul3A_2, %dma_wait3A_42] : memref<204800x128xf32, #tpu.memory_space<hbm>> -> memref<128x128xf32, #tpu.memory_space<hbm>>
    %dma_wait3A_44 = arith.constant 0 : i32
    %dma_wait3A_45 = tpu.memref_slice %arg4[%mul3A_2, %dma_wait3A_44] : memref<204800x128xf32, #tpu.memory_space<hbm>> -> memref<128x128xf32, #tpu.memory_space<hbm>>
    tpu.wait_dma2 semaphore(%arg16 : memref<!tpu.dma_semaphore, #tpu.memory_space<semaphore_mem>>) src(%arg10 : memref<128x128xf32, #tpu.memory_space<vmem>>) dst(%dma_wait3A_45 : memref<128x128xf32, #tpu.memory_space<hbm>>)
    %parallel_loop3A_46 = arith.constant 0 : i32
    %parallel_loop3A_47 = arith.constant 128 : i32
    %parallel_loop3A_48 = arith.constant 1 : i32
    scf.for %parallel_loop3A_67 = %parallel_loop3A_46 to %parallel_loop3A_47 step %parallel_loop3A_48  : i32 {
      %parallel_loop3A_68 = arith.index_cast %parallel_loop3A_67 : i32 to index
      %parallel_loop3A_69 = arith.constant 0 : index
      %parallel_loop3A_70 = tpu.vector_load %arg7[%parallel_loop3A_68, %parallel_loop3A_69] {strides = array<i32>} : memref<128x128xf32, #tpu.memory_space<vmem>>, vector<1x16xf32>,
      %parallel_loop3A_71 = vector.shape_cast %parallel_loop3A_70 : vector<1x16xf32> to vector<16xf32>
      %parallel_loop3A_72 = arith.constant 11.3137083 : f32
      %parallel_loop3A_73 = vector.broadcast %parallel_loop3A_72 : f32 to vector<16xf32>
      %parallel_loop3A_74 = arith.mulf %parallel_loop3A_71, %parallel_loop3A_73 : vector<16xf32>
      %parallel_loop3A_75 = arith.index_cast %parallel_loop3A_67 : i32 to index
      %parallel_loop3A_76 = arith.constant 0 : index
      %parallel_loop3A_77 = tpu.vector_load %arg10[%parallel_loop3A_75, %parallel_loop3A_76] {strides = array<i32>} : memref<128x128xf32, #tpu.memory_space<vmem>>, vector<1x16xf32>,
      %parallel_loop3A_78 = vector.shape_cast %parallel_loop3A_77 : vector<1x16xf32> to vector<16xf32>
      %parallel_loop3A_79 = vector.shape_cast %parallel_loop3A_74 : vector<16xf32> to vector<1x16xf32>
      tpu.vector_store %arg10[%parallel_loop3A_75, %parallel_loop3A_76], %parallel_loop3A_79 {strides = array<i32>} : memref<128x128xf32, #tpu.memory_space<vmem>>, vector<1x16xf32>,
      %parallel_loop3A_80 = arith.index_cast %parallel_loop3A_67 : i32 to index
      %parallel_loop3A_81 = arith.constant 16 : index
      %parallel_loop3A_82 = tpu.vector_load %arg7[%parallel_loop3A_80, %parallel_loop3A_81] {strides = array<i32>} : memref<128x128xf32, #tpu.memory_space<vmem>>, vector<1x16xf32>,
      %parallel_loop3A_83 = vector.shape_cast %parallel_loop3A_82 : vector<1x16xf32> to vector<16xf32>
      %parallel_loop3A_84 = arith.constant 11.3137083 : f32
      %parallel_loop3A_85 = vector.broadcast %parallel_loop3A_84 : f32 to vector<16xf32>
      %parallel_loop3A_86 = arith.mulf %parallel_loop3A_83, %parallel_loop3A_85 : vector<16xf32>
      %parallel_loop3A_87 = arith.index_cast %parallel_loop3A_67 : i32 to index
      %parallel_loop3A_88 = arith.constant 16 : index
      %parallel_loop3A_89 = tpu.vector_load %arg10[%parallel_loop3A_87, %parallel_loop3A_88] {strides = array<i32>} : memref<128x128xf32, #tpu.memory_space<vmem>>, vector<1x16xf32>,
      %parallel_loop3A_90 = vector.shape_cast %parallel_loop3A_89 : vector<1x16xf32> to vector<16xf32>
      %parallel_loop3A_91 = vector.shape_cast %parallel_loop3A_86 : vector<16xf32> to vector<1x16xf32>
      tpu.vector_store %arg10[%parallel_loop3A_87, %parallel_loop3A_88], %parallel_loop3A_91 {strides = array<i32>} : memref<128x128xf32, #tpu.memory_space<vmem>>, vector<1x16xf32>,
      %parallel_loop3A_92 = arith.index_cast %parallel_loop3A_67 : i32 to index
      %parallel_loop3A_93 = arith.constant 32 : index
      %parallel_loop3A_94 = tpu.vector_load %arg7[%parallel_loop3A_92, %parallel_loop3A_93] {strides = array<i32>} : memref<128x128xf32, #tpu.memory_space<vmem>>, vector<1x16xf32>,
      %parallel_loop3A_95 = vector.shape_cast %parallel_loop3A_94 : vector<1x16xf32> to vector<16xf32>
      %parallel_loop3A_96 = arith.constant 11.3137083 : f32
      %parallel_loop3A_97 = vector.broadcast %parallel_loop3A_96 : f32 to vector<16xf32>
      %parallel_loop3A_98 = arith.mulf %parallel_loop3A_95, %parallel_loop3A_97 : vector<16xf32>
      %parallel_loop3A_99 = arith.index_cast %parallel_loop3A_67 : i32 to index
      %parallel_loop3A_100 = arith.constant 32 : index
      %parallel_loop3A_101 = tpu.vector_load %arg10[%parallel_loop3A_99, %parallel_loop3A_100] {strides = array<i32>} : memref<128x128xf32, #tpu.memory_space<vmem>>, vector<1x16xf32>,
      %parallel_loop3A_102 = vector.shape_cast %parallel_loop3A_101 : vector<1x16xf32> to vector<16xf32>
      %parallel_loop3A_103 = vector.shape_cast %parallel_loop3A_98 : vector<16xf32> to vector<1x16xf32>
      tpu.vector_store %arg10[%parallel_loop3A_99, %parallel_loop3A_100], %parallel_loop3A_103 {strides = array<i32>} : memref<128x128xf32, #tpu.memory_space<vmem>>, vector<1x16xf32>,
      %parallel_loop3A_104 = arith.index_cast %parallel_loop3A_67 : i32 to index
      %parallel_loop3A_105 = arith.constant 48 : index
      %parallel_loop3A_106 = tpu.vector_load %arg7[%parallel_loop3A_104, %parallel_loop3A_105] {strides = array<i32>} : memref<128x128xf32, #tpu.memory_space<vmem>>, vector<1x16xf32>,
      %parallel_loop3A_107 = vector.shape_cast %parallel_loop3A_106 : vector<1x16xf32> to vector<16xf32>
      %parallel_loop3A_108 = arith.constant 11.3137083 : f32
      %parallel_loop3A_109 = vector.broadcast %parallel_loop3A_108 : f32 to vector<16xf32>
      %parallel_loop3A_110 = arith.mulf %parallel_loop3A_107, %parallel_loop3A_109 : vector<16xf32>
      %parallel_loop3A_111 = arith.index_cast %parallel_loop3A_67 : i32 to index
      %parallel_loop3A_112 = arith.constant 48 : index
      %parallel_loop3A_113 = tpu.vector_load %arg10[%parallel_loop3A_111, %parallel_loop3A_112] {strides = array<i32>} : memref<128x128xf32, #tpu.memory_space<vmem>>, vector<1x16xf32>,
      %parallel_loop3A_114 = vector.shape_cast %parallel_loop3A_113 : vector<1x16xf32> to vector<16xf32>
      %parallel_loop3A_115 = vector.shape_cast %parallel_loop3A_110 : vector<16xf32> to vector<1x16xf32>
      tpu.vector_store %arg10[%parallel_loop3A_111, %parallel_loop3A_112], %parallel_loop3A_115 {strides = array<i32>} : memref<128x128xf32, #tpu.memory_space<vmem>>, vector<1x16xf32>,
      %parallel_loop3A_116 = arith.index_cast %parallel_loop3A_67 : i32 to index
      %parallel_loop3A_117 = arith.constant 64 : index
      %parallel_loop3A_118 = tpu.vector_load %arg7[%parallel_loop3A_116, %parallel_loop3A_117] {strides = array<i32>} : memref<128x128xf32, #tpu.memory_space<vmem>>, vector<1x16xf32>,
      %parallel_loop3A_119 = vector.shape_cast %parallel_loop3A_118 : vector<1x16xf32> to vector<16xf32>
      %parallel_loop3A_120 = arith.constant 11.3137083 : f32
      %parallel_loop3A_121 = vector.broadcast %parallel_loop3A_120 : f32 to vector<16xf32>
      %parallel_loop3A_122 = arith.mulf %parallel_loop3A_119, %parallel_loop3A_121 : vector<16xf32>
      %parallel_loop3A_123 = arith.index_cast %parallel_loop3A_67 : i32 to index
      %parallel_loop3A_124 = arith.constant 64 : index
      %parallel_loop3A_125 = tpu.vector_load %arg10[%parallel_loop3A_123, %parallel_loop3A_124] {strides = array<i32>} : memref<128x128xf32, #tpu.memory_space<vmem>>, vector<1x16xf32>,
      %parallel_loop3A_126 = vector.shape_cast %parallel_loop3A_125 : vector<1x16xf32> to vector<16xf32>
      %parallel_loop3A_127 = vector.shape_cast %parallel_loop3A_122 : vector<16xf32> to vector<1x16xf32>
      tpu.vector_store %arg10[%parallel_loop3A_123, %parallel_loop3A_124], %parallel_loop3A_127 {strides = array<i32>} : memref<128x128xf32, #tpu.memory_space<vmem>>, vector<1x16xf32>,
      %parallel_loop3A_128 = arith.index_cast %parallel_loop3A_67 : i32 to index
      %parallel_loop3A_129 = arith.constant 80 : index
      %parallel_loop3A_130 = tpu.vector_load %arg7[%parallel_loop3A_128, %parallel_loop3A_129] {strides = array<i32>} : memref<128x128xf32, #tpu.memory_space<vmem>>, vector<1x16xf32>,
      %parallel_loop3A_131 = vector.shape_cast %parallel_loop3A_130 : vector<1x16xf32> to vector<16xf32>
      %parallel_loop3A_132 = arith.constant 11.3137083 : f32
      %parallel_loop3A_133 = vector.broadcast %parallel_loop3A_132 : f32 to vector<16xf32>
      %parallel_loop3A_134 = arith.mulf %parallel_loop3A_131, %parallel_loop3A_133 : vector<16xf32>
      %parallel_loop3A_135 = arith.index_cast %parallel_loop3A_67 : i32 to index
      %parallel_loop3A_136 = arith.constant 80 : index
      %parallel_loop3A_137 = tpu.vector_load %arg10[%parallel_loop3A_135, %parallel_loop3A_136] {strides = array<i32>} : memref<128x128xf32, #tpu.memory_space<vmem>>, vector<1x16xf32>,
      %parallel_loop3A_138 = vector.shape_cast %parallel_loop3A_137 : vector<1x16xf32> to vector<16xf32>
      %parallel_loop3A_139 = vector.shape_cast %parallel_loop3A_134 : vector<16xf32> to vector<1x16xf32>
      tpu.vector_store %arg10[%parallel_loop3A_135, %parallel_loop3A_136], %parallel_loop3A_139 {strides = array<i32>} : memref<128x128xf32, #tpu.memory_space<vmem>>, vector<1x16xf32>,
      %parallel_loop3A_140 = arith.index_cast %parallel_loop3A_67 : i32 to index
      %parallel_loop3A_141 = arith.constant 96 : index
      %parallel_loop3A_142 = tpu.vector_load %arg7[%parallel_loop3A_140, %parallel_loop3A_141] {strides = array<i32>} : memref<128x128xf32, #tpu.memory_space<vmem>>, vector<1x16xf32>,
      %parallel_loop3A_143 = vector.shape_cast %parallel_loop3A_142 : vector<1x16xf32> to vector<16xf32>
      %parallel_loop3A_144 = arith.constant 11.3137083 : f32
      %parallel_loop3A_145 = vector.broadcast %parallel_loop3A_144 : f32 to vector<16xf32>
      %parallel_loop3A_146 = arith.mulf %parallel_loop3A_143, %parallel_loop3A_145 : vector<16xf32>
      %parallel_loop3A_147 = arith.index_cast %parallel_loop3A_67 : i32 to index
      %parallel_loop3A_148 = arith.constant 96 : index
      %parallel_loop3A_149 = tpu.vector_load %arg10[%parallel_loop3A_147, %parallel_loop3A_148] {strides = array<i32>} : memref<128x128xf32, #tpu.memory_space<vmem>>, vector<1x16xf32>,
      %parallel_loop3A_150 = vector.shape_cast %parallel_loop3A_149 : vector<1x16xf32> to vector<16xf32>
      %parallel_loop3A_151 = vector.shape_cast %parallel_loop3A_146 : vector<16xf32> to vector<1x16xf32>
      tpu.vector_store %arg10[%parallel_loop3A_147, %parallel_loop3A_148], %parallel_loop3A_151 {strides = array<i32>} : memref<128x128xf32, #tpu.memory_space<vmem>>, vector<1x16xf32>,
      %parallel_loop3A_152 = arith.index_cast %parallel_loop3A_67 : i32 to index
      %parallel_loop3A_153 = arith.constant 112 : index
      %parallel_loop3A_154 = tpu.vector_load %arg7[%parallel_loop3A_152, %parallel_loop3A_153] {strides = array<i32>} : memref<128x128xf32, #tpu.memory_space<vmem>>, vector<1x16xf32>,
      %parallel_loop3A_155 = vector.shape_cast %parallel_loop3A_154 : vector<1x16xf32> to vector<16xf32>
      %parallel_loop3A_156 = arith.constant 11.3137083 : f32
      %parallel_loop3A_157 = vector.broadcast %parallel_loop3A_156 : f32 to vector<16xf32>
      %parallel_loop3A_158 = arith.mulf %parallel_loop3A_155, %parallel_loop3A_157 : vector<16xf32>
      %parallel_loop3A_159 = arith.index_cast %parallel_loop3A_67 : i32 to index
      %parallel_loop3A_160 = arith.constant 112 : index
      %parallel_loop3A_161 = tpu.vector_load %arg10[%parallel_loop3A_159, %parallel_loop3A_160] {strides = array<i32>} : memref<128x128xf32, #tpu.memory_space<vmem>>, vector<1x16xf32>,
      %parallel_loop3A_162 = vector.shape_cast %parallel_loop3A_161 : vector<1x16xf32> to vector<16xf32>
      %parallel_loop3A_163 = vector.shape_cast %parallel_loop3A_158 : vector<16xf32> to vector<1x16xf32>
      tpu.vector_store %arg10[%parallel_loop3A_159, %parallel_loop3A_160], %parallel_loop3A_163 {strides = array<i32>} : memref<128x128xf32, #tpu.memory_space<vmem>>, vector<1x16xf32>,
    } {sc.loop_unroll_factor = 4 : i64, sc.parallel_access}
    %add3A_49 = arith.constant 6272 : i32
    %add3A_50 = arith.addi %mul3A_2, %add3A_49 : i32
    %dma_start3A_51 = arith.constant 0 : i32
    %dma_start3A_52 = tpu.memref_slice %arg4[%add3A_50, %dma_start3A_51] : memref<204800x128xf32, #tpu.memory_space<hbm>> -> memref<128x128xf32, #tpu.memory_space<hbm>>
    %dma_start3A_53 = arith.constant 0 : i32
    %dma_start3A_54 = tpu.memref_slice %arg4[%add3A_50, %dma_start3A_53] : memref<204800x128xf32, #tpu.memory_space<hbm>> -> memref<128x128xf32, #tpu.memory_space<hbm>>
    tpu.enqueue_dma source(%arg10 : memref<128x128xf32, #tpu.memory_space<vmem>>) target(%dma_start3A_54 : memref<128x128xf32, #tpu.memory_space<hbm>>) target_semaphore(%arg16 : memref<!tpu.dma_semaphore, #tpu.memory_space<semaphore_mem>>)
    %dma_wait3A_55 = arith.constant 0 : i32
    %dma_wait3A_56 = tpu.memref_slice %arg4[%mul3A_2, %dma_wait3A_55] : memref<204800x128xf32, #tpu.memory_space<hbm>> -> memref<128x128xf32, #tpu.memory_space<hbm>>
    %dma_wait3A_57 = arith.constant 0 : i32
    %dma_wait3A_58 = tpu.memref_slice %arg4[%mul3A_2, %dma_wait3A_57] : memref<204800x128xf32, #tpu.memory_space<hbm>> -> memref<128x128xf32, #tpu.memory_space<hbm>>
    tpu.wait_dma2 semaphore(%arg15 : memref<!tpu.dma_semaphore, #tpu.memory_space<semaphore_mem>>) src(%arg9 : memref<128x128xf32, #tpu.memory_space<vmem>>) dst(%dma_wait3A_58 : memref<128x128xf32, #tpu.memory_space<hbm>>)
    %dma_wait3A_59 = arith.constant 0 : i32
    %dma_wait3A_60 = tpu.memref_slice %arg4[%mul3A_2, %dma_wait3A_59] : memref<204800x128xf32, #tpu.memory_space<hbm>> -> memref<128x128xf32, #tpu.memory_space<hbm>>
    %dma_wait3A_61 = arith.constant 0 : i32
    %dma_wait3A_62 = tpu.memref_slice %arg4[%mul3A_2, %dma_wait3A_61] : memref<204800x128xf32, #tpu.memory_space<hbm>> -> memref<128x128xf32, #tpu.memory_space<hbm>>
    tpu.wait_dma2 semaphore(%arg16 : memref<!tpu.dma_semaphore, #tpu.memory_space<semaphore_mem>>) src(%arg10 : memref<128x128xf32, #tpu.memory_space<vmem>>) dst(%dma_wait3A_62 : memref<128x128xf32, #tpu.memory_space<hbm>>)
    %dma_wait3A_63 = arith.constant 0 : i32
    %dma_wait3A_64 = tpu.memref_slice %arg4[%mul3A_2, %dma_wait3A_63] : memref<204800x128xf32, #tpu.memory_space<hbm>> -> memref<128x128xf32, #tpu.memory_space<hbm>>
    %dma_wait3A_65 = arith.constant 0 : i32
    %dma_wait3A_66 = tpu.memref_slice %arg4[%mul3A_2, %dma_wait3A_65] : memref<204800x128xf32, #tpu.memory_space<hbm>> -> memref<128x128xf32, #tpu.memory_space<hbm>>
    tpu.wait_dma2 semaphore(%arg17 : memref<!tpu.dma_semaphore, #tpu.memory_space<semaphore_mem>>) src(%arg11 : memref<128x128xf32, #tpu.memory_space<vmem>>) dst(%dma_wait3A_66 : memref<128x128xf32, #tpu.memory_space<hbm>>)
    return
  }
}

</mosaic_0001>

<sc_bundles>
// kernel: kernel.3.cloned.1.call-start
scs
__scs_entry_jumppad:
0x0: {  	(pc) =	sbr.rel $0x88, $3  }
0x1: {  	(tag) =	ssettag $0x0;
	lr =	simm.s32 $0x1  }
0x2: {  	[smem:$0x3F9F] =	sst lr;
	_ =	strace $0xD0000000  }
0x3: {  	_ = 	snop  }
0x4: {  	_ = 	snop  }
0x5: {  	_ = 	snop  }
0x6: {  	_ = 	snop  }
0x7: {  	_ = 	snop  }
__scs_overlays_trampoline_lowered:
0x8: {  	[smem:$0x3FAE] =	sst s0  }
0x9: {  	[smem:$0x3FAF] =	sst s1  }
0xa: {  	[smem:$0x3FB0] =	sst s2  }
0xb: {  	[smem:$0x3FB1] =	sst s3  }
0xc: {  	[smem:$0x3FB2] =	sst s4  }
0xd: {  	[smem:$0x3FB3] =	sst s5  }
0xe: {  	[smem:$0x3FB4] =	sst s6  }
0xf: {  	[smem:$0x3FB5] =	sst s7  }
0x10: {  	[smem:$0x3FB6] =	sst s8  }
0x11: {  	[smem:$0x3FB7] =	sst s9;
	s0 =	simm.s32 @!p0 $0x0  }
0x12: {  	s1 =	sld [smem:$0x3F9D];
	s0 =	simm.s32 @p0 $0x1  }
0x13: {  	[smem:$0x3FB8] =	sst s0;
	s0 =	simm.s32 @!p1 $0x0  }
0x14: {  	s2 =	sld [smem:$0x3F9C];
	s0 =	simm.s32 @p1 $0x1  }
0x15: {  	[smem:$0x3FB9] =	sst s0;
	s0 =	simm.s32 @!p2 $0x0  }
0x16: {  	s3 =	sld [smem:$0x3FDB];
	s0 =	simm.s32 @p2 $0x1  }
0x17: {  	s4 =	simm.s32 $0x1BF5;
	[smem:$0x3FBB] =	sst s0  }
0x18: {  	s0 =	sld [smem:$0x3F9E];
	_ =	swait.ge [sflag:s4], $0x0  }
0x19: {  	s7 =	sld [smem:$0x3F9F]  }
0x1a: {  	s8 =	sadd.s32 $0xFFFFE003, lr  }
0x1b: {  	s9 =	sadd.s32 $0xFFFFFEF7, lr;
	s5 =	simm.s32 $0xFFFFFFFF;
	p2 =	slt.u32 s8, $0xFFFFF086  }
0x1c: {  	p1 =	slt.u32 s9, $0xF7A;
	s5 =	simm.s32 @!p2 $0x0  }
0x1d: {  	s5 =	simm.s32 @p1 $0x1;
	p0 =	seq.s32 s7, s2  }
0x1e: {  	s7 =	smul.u32 @!p0 $0xF7A, s2;
	p2 =	seq.s32 @!p0 s5, $0x0  }
0x1f: {  	s9 =	smul.u32 $0xF7A, s1;
	s8 =	simm.s32 @!p0 $0x1BF5;
	p2 =	por !p2, p0  }
0x20: {  	[sflag:s8] =	ssyncset.s32 @!p0 $0xFFFFF086;
	s6 =	sadd.s32 @!p0 s3, s7;
	s7 =	simm.s32 @!p0 $0x108  }
0x21: {  	s3 =	sadd.s32 s3, s9;
	s6 =	sadd.s32 @!p0 $0x88, s6;
	s7 =	simm.s32 @p2 $0x1082  }
0x22: {  	[simem:s7], [sflag:s8] =	dma.local @!p0 [hbm:s6], $0xF7A  }
0x23: {  	s9 =	sor.u32 $0xD0000000, s2;
	s6 =	simm.s32 $0x108;
	_ =	swait.ge @!p0 [sflag:s8], $0x0  }
0x24: {  	s3 =	sadd.s32 $0x88, s3;
	s6 =	simm.s32 @!p1 $0x1082;
	[sflag:s4] =	ssyncset.s32 $0xFFFFF086  }
0x25: {  	[simem:s6], [sflag:s4] =	dma.local [hbm:s3], $0xF7A  }
0x26: {  	[smem:$0x3F9F] =	sst s1;
	(tag) =	ssettag s2;
	_ =	strace s9  }
0x27: {  	s1 =	sld [smem:$0x3FAF]  }
0x28: {  	s2 =	sld [smem:$0x3FB0]  }
0x29: {  	s4 =	sld [smem:$0x3FB2]  }
0x2a: {  	p0 =	seq.s32 s5, $0x0;
	s5 =	sld [smem:$0x3FB3]  }
0x2b: {  	s6 =	sld [smem:$0x3FB4]  }
0x2c: {  	s7 =	sld [smem:$0x3FB5]  }
0x2d: {  	s3 =	simm.s32 $0x108;
	s8 =	sld [smem:$0x3FB6]  }
0x2e: {  	s3 =	simm.s32 @!p0 $0x1082;
	s9 =	sld [smem:$0x3FB7]  }
0x2f: {  	lr =	sadd.s32 s0, s3;
	s0 =	sld [smem:$0x3FAE]  }
0x30: {  	s3 =	sld [smem:$0x3FB1]  }
0x31: {  	[smem:$0x3FBA] =	sst s10  }
0x32: {  	s10 =	sld [smem:$0x3FB8];
	_ =	sdelay $0x3  }
0x33: {  	p0 =	seq.s32 s10, $0x1;
	s10 =	sld [smem:$0x3FBA];
	_ =	sdelay $0x3  }
0x34: {  	[smem:$0x3FBA] =	sst s10  }
0x35: {  	s10 =	sld [smem:$0x3FB9];
	_ =	sdelay $0x3  }
0x36: {  	p1 =	seq.s32 s10, $0x1;
	s10 =	sld [smem:$0x3FBA];
	_ =	sdelay $0x3  }
0x37: {  	[smem:$0x3FBA] =	sst s10  }
0x38: {  	s10 =	sld [smem:$0x3FBB]  }
0x39: {  	_ = 	snop;
	(pc) =	sbr.ind lr, $3  }
0x3a: {  	_ = 	snop  }
0x3b: {  	_ = 	snop  }
0x3c: {  	p2 =	seq.s32 s10, $0x1;
	s10 =	sld [smem:$0x3FBA]  }
0x3d: {  	_ =	shalt  }
0x3e: {  	_ =	shalt  }
0x3f: {  	_ =	shalt  }
0x40: {  	_ =	shalt  }
0x41: {  	_ =	shalt  }
0x42: {  	_ =	shalt  }
0x43: {  	_ =	shalt  }
0x44: {  	_ =	shalt  }
0x45: {  	_ =	shalt  }
0x46: {  	_ =	shalt  }
0x47: {  	_ =	shalt  }
0x48: {  	_ =	shalt  }
0x49: {  	_ =	shalt  }
0x4a: {  	_ =	shalt  }
0x4b: {  	_ =	shalt  }
0x4c: {  	_ =	shalt  }
0x4d: {  	_ =	shalt  }
0x4e: {  	_ =	shalt  }
0x4f: {  	_ =	shalt  }
0x50: {  	_ =	shalt  }
0x51: {  	_ =	shalt  }
0x52: {  	_ =	shalt  }
0x53: {  	_ =	shalt  }
0x54: {  	_ =	shalt  }
0x55: {  	_ =	shalt  }
0x56: {  	_ =	shalt  }
0x57: {  	_ =	shalt  }
0x58: {  	_ =	shalt  }
0x59: {  	_ =	shalt  }
0x5a: {  	_ =	shalt  }
0x5b: {  	_ =	shalt  }
0x5c: {  	_ =	shalt  }
0x5d: {  	_ =	shalt  }
0x5e: {  	_ =	shalt  }
0x5f: {  	_ =	shalt  }
0x60: {  	_ =	shalt  }
0x61: {  	_ =	shalt  }
0x62: {  	_ =	shalt  }
0x63: {  	_ =	shalt  }
0x64: {  	_ =	shalt  }
0x65: {  	_ =	shalt  }
0x66: {  	_ =	shalt  }
0x67: {  	_ =	shalt  }
0x68: {  	_ =	shalt  }
0x69: {  	_ =	shalt  }
0x6a: {  	_ =	shalt  }
0x6b: {  	_ =	shalt  }
0x6c: {  	_ =	shalt  }
0x6d: {  	_ =	shalt  }
0x6e: {  	_ =	shalt  }
0x6f: {  	_ =	shalt  }
0x70: {  	_ =	shalt  }
0x71: {  	_ =	shalt  }
0x72: {  	_ =	shalt  }
0x73: {  	_ =	shalt  }
0x74: {  	_ =	shalt  }
0x75: {  	_ =	shalt  }
0x76: {  	_ =	shalt  }
0x77: {  	_ =	shalt  }
0x78: {  	_ =	shalt  }
0x79: {  	_ =	shalt  }
0x7a: {  	_ =	shalt  }
0x7b: {  	_ =	shalt  }
0x7c: {  	_ =	shalt  }
0x7d: {  	_ =	shalt  }
0x7e: {  	_ =	shalt  }
0x7f: {  	_ =	shalt  }
0x80: {  	_ =	shalt  }
0x81: {  	_ =	shalt  }
0x82: {  	_ =	shalt  }
0x83: {  	_ =	shalt  }
0x84: {  	_ =	shalt  }
0x85: {  	_ =	shalt  }
0x86: {  	_ =	shalt  }
0x87: {  	_ =	shalt  }
.Lfunc_end0:
.L_simem_size_0:
called_computation_lowered:
.L_overlay_start_0:
0x88: {  	s2 =	sld [smem:$0x3FD9]  }
0x89: {  	s3 =	sld [smem:$0x3FFE];
	_ =	sdelay $0x1  }
0x8a: {  	s1 =	srdreg.scid  }
0x8b: {  	s0 =	sand.u32 $0x1, s1  }
0x8c: {  	s17 =	sshll.u32 s0, $0xA;
	s2 =	sadd.s32 s3, s2  }
0x8d: {  	s2 =	sadd.s32 s2, s17  }
0x8e: {  	[smem:$0x3FC6] =	sst s2  }
0x8f: {  	_ = 	snop  }
0x90: {  	s2 =	sld [smem:$0x3FC8]  }
0x91: {  	s18 =	sld [smem:$0x3FD0];
	(tm) =	ssettm $0x1  }
0x92: {  	s4 =	sld [smem:$0x3FFB];
	_ =	sdelay $0x3  }
0x93: {  	_ =	strace s4  }
0x94: {  	s4 =	sld [smem:$0x3FFC];
	_ =	sdelay $0x3  }
0x95: {  	_ =	strace s4  }
0x96: {  	s4 =	sld [smem:$0x3FFD];
	_ =	sdelay $0x3  }
0x97: {  	_ =	strace s4  }
0x98: {  	_ =	strace $0x8FFFFFFF  }
0x99: {  	s19 =	sld [smem:$0x3FDB];
	_ =	sdelay $0x1  }
0x9a: {  	s5 =	simm.s32 $_scs_section_size  }
0x9b: {  	s6 =	simm.s32 $_size__tile_overlayer_lowered;
	s7 =	simm.s32 $_tile_overlayer_lowered  }
0x9c: {  	s22 =	simm.s32 $0x1BFF;
	s21 =	sshll.u32 s7, $0x1;
	s4 =	sadd.s32 s5, s19  }
0x9d: {  	s8 =	simm.s32 $0x0;
	s20 =	sshll.u32 s6, $0x1;
	s6 =	sadd.s32 s21, s4  }
0x9e: {  	[timem:s8], [sflag:s22] =	dma.local [hbm:s6], s20  }
0x9f: {  	_ =	swait.ge [sflag:s22], s20  }
0xa0: {  	s5 =	ssub.s32 $0x0, s20;
	[sflag:s22] =	ssyncset.done $0x0  }
0xa1: {  	[sflag:s22] =	ssyncadd.s32 s5;
	_ =	sdelay $0x1  }
0xa2: {  	s23 =	simm.s32 $0x1B8B  }
0xa3: {  	_ =	swait.ge [sflag:s23], $0x1  }
0xa4: {  	[sflag:s23] =	ssyncset.done $0x0  }
0xa5: {  	s25 =	simm.s32 $0x1B8E;
	s24 =	sld [smem:$0x3FFE];
	[sflag:s23] =	ssyncadd.s32 $0xFFFFFFFF  }
0xa6: {  	s26 =	simm.s32 $execute0_lowered;
	[smem:$0x3FD2] =	sst s25  }
0xa7: {  	s6 =	sshll.u32 s26, $0x1;
	_ =	strace $0x80000046;
	[dreg:$0x1] =	wrdreg $0xFFFFFFFF  }
0xa8: {  	s28 =	simm.s32 $_size_execute0_lowered;
	s4 =	sadd.s32 s4, s6;
	[dreg:$0x0] =	wrdreg $0x0  }
0xa9: {  	s6 =	sshll.u32 s28, $0x1;
	[dreg:$0x2] =	wrdreg s4  }
0xaa: {  	[dreg:$0x3] =	wrdreg s6  }
0xab: {  	[dreg:$0x4] =	wrdreg $0xC0  }
0xac: {  	_ =	task [dreg:s8], $0x5FFFF  }
0xad: {  	[dreg:$0x1] =	wrdreg $0xFFFFFFFF  }
0xae: {  	[dreg:$0x0] =	wrdreg $0x60  }
0xaf: {  	[dreg:$0x2] =	wrdreg s2  }
0xb0: {  	[dreg:$0x3] =	wrdreg s24  }
0xb1: {  	[dreg:$0x4] =	wrdreg s18  }
0xb2: {  	[dreg:$0x5] =	wrdreg $0x9  }
0xb3: {  	_ =	task.clear_ibuf [dreg:s8], $0x6FFFF;
	_ =	strace $0x90000046  }
0xb4: {  	s29 =	simm.s32 $0x9;
	_ =	strace $0x80000048  }
0xb5: {  	_ =	swait.ge [sflag:s29], $0x1  }
0xb6: {  	[sflag:s29] =	ssyncadd.s32 $0xFFFFFFFF  }
0xb7: {  	_ =	strace $0x90000048  }
0xb8: {  	_ =	sfence  }
0xb9: {  	s30 =	sld [smem:$0x0];
	_ =	sdelay $0x2  }
0xba: {  	s31 =	sshll.u32 s1, $0xD;
	s1 =	sshrl.u32 s1, $0x2  }
0xbb: {  	s3 =	sand.u32 $0x4000, s31;
	s1 =	sadd.s32 s1, s30  }
0xbc: {  	s0 =	sor.u32 s3, s0;
	s1 =	sshll.u32 s1, $0x11  }
0xbd: {  	s0 =	sor.u32 s1, s0  }
0xbe: {  	s0 =	sadd.s32 $0x8F2B, s0  }
0xbf: {  	[sflag:s0] =	ssyncadd.remote.s32 $0x1  }
0xc0: {  	_ =	sfence.sel $0xFFFF  }
0xc1: {  	[dreg:$0x0] =	wrdreg $0xFFFFFFFF;
	(pc) =	sbr.abs _section_cstart, $3  }
0xc2: {  	[dreg:$0x1] =	wrdreg $0xFFFFFFFF  }
0xc3: {  	_ =	task.clear_ibuf [dreg:s8], $0x2FFFF;
	_ =	strace $0x9FFFFFFF  }
0xc4: {  	(tm) =	ssettm $0x7FFFFFFF  }
0xc5: {  	_ =	shalt  }
tec
execute0_lowered:
.L_overlay_start_1:
0x0: {  	(tag) =	ssettag $0x1  }
0x1: {  	s1 =	rddreg [dreg:$0x0]  }
0x2: {  	s0 =	srdreg.scid;
	s3 =	stileid.u32  }
0x3: {  	s2 =	rddreg [dreg:$0x1];
	s12 =	simm.s32 $0x7;
	s13 =	simm.s32 $0x80  }
0x4: {  	s14 =	simm.s32 $0x1900;
	s15 =	simm.s32 $0x5900;
	s18 =	simm.s32 $0x1  }
0x5: {  	s19 =	simm.s32 $0xD900;
	s20 =	simm.s32 $0x2;
	s21 =	simm.s32 $0x11900  }
0x6: {  	s22 =	simm.s32 $0x3;
	s23 =	simm.s32 $0x15900;
	s24 =	simm.s32 $0x4  }
0x7: {  	s25 =	simm.s32 $0x5;
	s0 =	sand.u32 $0x1, s0;
	s4 =	sshll.u32 s3, $0x1  }
0x8: {  	s26 =	simm.s32 $0x6;
	s28 =	simm.s32 $0x0;
	s6 =	sor.u32 s0, s4  }
0x9: {  	s3 =	rddreg [dreg:$0x2];
	s4 =	simm.s32 $0x0;
	s5 =	smul.u32 $0x1900, s6  }
0xa: {  	s0 =	ssub.s32 $0x2, s0;
	[smem:$0x7FF] =	sst s4;
	s6 =	smul.u32 $0xC8000, s6  }
0xb: {  	s29 =	sshrl.u32 s0, $0x1;
	_ =	strace $0x80000047;
	s7 =	sshrl.u32 s5, $0x3  }
0xc: {  	s0 =	ssub.s32 s0, s29;
	s8 =	sshrl.u32 s6, $0x3;
	s2 =	sadd.s32 s7, s2  }
0xd: {  	s11 =	smax.u32 s0, $0x1;
	s30 =	sadd.s32 s3, s8;
	s2 =	sadd.s32 $0x400, s2  }
0xe: {  	s7 =	sor.u32 $0x4000, s6;
	s31 =	sadd.s32 $0x18000, s30;
	[dreg:$0x4] =	wrdreg s2  }
0xf: {  	s8 =	sadd.s32 $0x8000, s6;
	s10 =	sadd.s32 $0x18800, s30;
	[dreg:$0x5] =	wrdreg s31  }
.LBB2_1:
0x10: {  	s0 =	rddreg [dreg:$0x4]  }
0x11: {  	[tilespmem:s4], [sflag:$0x7] =	stream.linear.gather [hbm4b:s0+s4], $0x1900, $0x38;
	[tilespmem:$0x19900] =	vst v63  }
0x12: {  	_ =	swait.ge [sflag:s12], $0x1900  }
0x13: {  	[sflag:s12] =	ssyncset.done $0x0  }
0x14: {  	[sflag:s12] =	ssyncadd.s32 $0xFFFFE700  }
0x15: {  	[tilespmem:s14], [sflag:$0x1] =	stream.indirect.gather [hbm4b:s1+s13], $0x80, s4, s13, $0xb8;
	[tilespmem:$0x19900] =	vst v63  }
0x16: {  	_ = 	snop  }
0x17: {  	[tilespmem:s15], [sflag:$0x2] =	stream.indirect.gather [hbm4b:s1+s13], $0x80, s13, s13, $0xb8;
	[tilespmem:$0x19900] =	vst v63  }
0x18: {  	s31 =	simm.s32 $0x100;
	s2 =	simm.s32 $0x9900;
	s29 =	simm.s32 $0x0  }
0x19: {  	[tilespmem:s2], [sflag:$0x3] =	stream.indirect.gather [hbm4b:s1+s13], $0x80, s31, s13, $0xb8;
	[tilespmem:$0x19900] =	vst v63  }
.LBB2_2:
0x1a: {  	_ =	swait.ge [sflag:s18], $0x4000  }
0x1b: {  	p0 =	seq.s32 s29, $0x0;
	[sflag:s18] =	ssyncset.done $0x0  }
0x1c: {  	s0 =	simm.s32 @!p0 $0x4;
	[sflag:s18] =	ssyncadd.s32 $0xFFFFC000  }
0x1d: {  	_ =	swait.ge @!p0 [sflag:s0], $0x4000  }
0x1e: {  	[sflag:s0] =	ssyncset.done @!p0 $0x0  }
0x1f: {  	s6 =	simm.s32 $0x1A00;
	[sflag:s0] =	ssyncadd.s32 @!p0 $0xFFFFC000  }
0x20: {  	v0 =	vld [tilespmem:s6+$0x80];
	_ =	sdelay $0x3  }
0x21: {  	v1 =	vld [tilespmem:s6+$0xFFFFFF00]  }
0x22: {  	v2 =	vld [tilespmem:s6+$0xFFFFFF80];
	v0 =	vmul.f32 $1.131370830e+01, v0  }
0x23: {  	s30 =	simm.s32 $0xDA00;
	v3 =	vld [tilespmem:s6+$0x0]  }
0x24: {  	[tilespmem:s30+$0x80] =	vst v0  }
0x25: {  	v0 =	vld [tilespmem:s6+$0x90]  }
0x26: {  	v1 =	vmul.f32 $1.131370830e+01, v1  }
0x27: {  	v2 =	vmul.f32 $1.131370830e+01, v2  }
0x28: {  	v3 =	vmul.f32 $1.131370830e+01, v3;
	[tilespmem:s30+$0xFFFFFF00] =	vst v1  }
0x29: {  	[tilespmem:s30+$0xFFFFFF80] =	vst v2;
	v1 =	vld [tilespmem:s6+$0xFFFFFF10]  }
0x2a: {  	[tilespmem:s30+$0x0] =	vst v3;
	v2 =	vld [tilespmem:s6+$0xFFFFFF90];
	v0 =	vmul.f32 $1.131370830e+01, v0  }
0x2b: {  	v3 =	vld [tilespmem:s6+$0x10]  }
0x2c: {  	[tilespmem:s30+$0x90] =	vst v0  }
0x2d: {  	v0 =	vld [tilespmem:s6+$0xA0]  }
0x2e: {  	v1 =	vmul.f32 $1.131370830e+01, v1  }
0x2f: {  	v2 =	vmul.f32 $1.131370830e+01, v2  }
0x30: {  	v3 =	vmul.f32 $1.131370830e+01, v3;
	[tilespmem:s30+$0xFFFFFF10] =	vst v1  }
0x31: {  	[tilespmem:s30+$0xFFFFFF90] =	vst v2;
	v1 =	vld [tilespmem:s6+$0xFFFFFF20]  }
0x32: {  	[tilespmem:s30+$0x10] =	vst v3;
	v2 =	vld [tilespmem:s6+$0xFFFFFFA0];
	v0 =	vmul.f32 $1.131370830e+01, v0  }
0x33: {  	v3 =	vld [tilespmem:s6+$0x20]  }
0x34: {  	[tilespmem:s30+$0xA0] =	vst v0  }
0x35: {  	v0 =	vld [tilespmem:s6+$0xB0]  }
0x36: {  	v1 =	vmul.f32 $1.131370830e+01, v1  }
0x37: {  	v2 =	vmul.f32 $1.131370830e+01, v2  }
0x38: {  	v3 =	vmul.f32 $1.131370830e+01, v3;
	[tilespmem:s30+$0xFFFFFF20] =	vst v1  }
0x39: {  	[tilespmem:s30+$0xFFFFFFA0] =	vst v2;
	v1 =	vld [tilespmem:s6+$0xFFFFFF30]  }
0x3a: {  	[tilespmem:s30+$0x20] =	vst v3;
	v2 =	vld [tilespmem:s6+$0xFFFFFFB0];
	v0 =	vmul.f32 $1.131370830e+01, v0  }
0x3b: {  	s2 =	simm.s32 $0x1C00;
	v3 =	vld [tilespmem:s6+$0x30]  }
0x3c: {  	[tilespmem:s30+$0xB0] =	vst v0;
	v0 =	vld [tilespmem:s2+$0x80]  }
0x3d: {  	v4 =	vld [tilespmem:s6+$0xC0]  }
0x3e: {  	v5 =	vld [tilespmem:s2+$0xFFFFFF80];
	v1 =	vmul.f32 $1.131370830e+01, v1  }
0x3f: {  	v6 =	vld [tilespmem:s2+$0x0];
	v2 =	vmul.f32 $1.131370830e+01, v2  }
0x40: {  	v3 =	vmul.f32 $1.131370830e+01, v3;
	[tilespmem:s30+$0xFFFFFF30] =	vst v1;
	v1 =	vld [tilespmem:s2+$0xFFFFFF00]  }
0x41: {  	[tilespmem:s30+$0xFFFFFFB0] =	vst v2;
	v2 =	vld [tilespmem:s6+$0xFFFFFF40];
	v0 =	vmul.f32 $1.131370830e+01, v0  }
0x42: {  	s0 =	simm.s32 $0xDC00;
	[tilespmem:s30+$0x30] =	vst v3;
	v3 =	vld [tilespmem:s6+$0xFFFFFFC0];
	v4 =	vmul.f32 $1.131370830e+01, v4  }
0x43: {  	v5 =	vmul.f32 $1.131370830e+01, v5;
	[tilespmem:s0+$0x80] =	vst v0;
	v0 =	vld [tilespmem:s6+$0x40]  }
0x44: {  	v6 =	vmul.f32 $1.131370830e+01, v6;
	v7 =	vld [tilespmem:s2+$0x90];
	[tilespmem:s30+$0xC0] =	vst v4  }
0x45: {  	[tilespmem:s0+$0xFFFFFF80] =	vst v5;
	v1 =	vmul.f32 $1.131370830e+01, v1;
	v4 =	vld [tilespmem:s6+$0xD0]  }
0x46: {  	[tilespmem:s0+$0x0] =	vst v6;
	v5 =	vld [tilespmem:s2+$0xFFFFFF90];
	v2 =	vmul.f32 $1.131370830e+01, v2  }
0x47: {  	v3 =	vmul.f32 $1.131370830e+01, v3;
	[tilespmem:s0+$0xFFFFFF00] =	vst v1;
	v1 =	vld [tilespmem:s2+$0x10]  }
0x48: {  	v6 =	vld [tilespmem:s2+$0xFFFFFF10];
	[tilespmem:s30+$0xFFFFFF40] =	vst v2;
	v0 =	vmul.f32 $1.131370830e+01, v0  }
0x49: {  	[tilespmem:s30+$0xFFFFFFC0] =	vst v3;
	v2 =	vmul.f32 $1.131370830e+01, v7;
	v7 =	vld [tilespmem:s6+$0xFFFFFF50]  }
0x4a: {  	v3 =	vld [tilespmem:s6+$0xFFFFFFD0];
	[tilespmem:s30+$0x40] =	vst v0;
	v0 =	vmul.f32 $1.131370830e+01, v4  }
0x4b: {  	v4 =	vmul.f32 $1.131370830e+01, v5;
	[tilespmem:s0+$0x90] =	vst v2;
	v2 =	vld [tilespmem:s6+$0x50]  }
0x4c: {  	v1 =	vmul.f32 $1.131370830e+01, v1;
	v5 =	vld [tilespmem:s2+$0xA0];
	[tilespmem:s30+$0xD0] =	vst v0  }
0x4d: {  	v0 =	vmul.f32 $1.131370830e+01, v6;
	[tilespmem:s0+$0xFFFFFF90] =	vst v4;
	v4 =	vld [tilespmem:s6+$0xE0]  }
0x4e: {  	[tilespmem:s0+$0x10] =	vst v1;
	v6 =	vld [tilespmem:s2+$0xFFFFFFA0];
	v1 =	vmul.f32 $1.131370830e+01, v7  }
0x4f: {  	v3 =	vmul.f32 $1.131370830e+01, v3;
	[tilespmem:s0+$0xFFFFFF10] =	vst v0;
	v0 =	vld [tilespmem:s2+$0x20]  }
0x50: {  	v7 =	vld [tilespmem:s2+$0xFFFFFF20];
	[tilespmem:s30+$0xFFFFFF50] =	vst v1;
	v1 =	vmul.f32 $1.131370830e+01, v2  }
0x51: {  	[tilespmem:s30+$0xFFFFFFD0] =	vst v3;
	v2 =	vmul.f32 $1.131370830e+01, v5;
	v5 =	vld [tilespmem:s6+$0xFFFFFF60]  }
0x52: {  	v3 =	vld [tilespmem:s6+$0xFFFFFFE0];
	[tilespmem:s30+$0x50] =	vst v1;
	v1 =	vmul.f32 $1.131370830e+01, v4  }
0x53: {  	v4 =	vmul.f32 $1.131370830e+01, v6;
	[tilespmem:s0+$0xA0] =	vst v2;
	v2 =	vld [tilespmem:s6+$0x60]  }
0x54: {  	v0 =	vmul.f32 $1.131370830e+01, v0;
	v6 =	vld [tilespmem:s2+$0xB0];
	[tilespmem:s30+$0xE0] =	vst v1  }
0x55: {  	v1 =	vmul.f32 $1.131370830e+01, v7;
	[tilespmem:s0+$0xFFFFFFA0] =	vst v4;
	v7 =	vld [tilespmem:s6+$0xF0]  }
0x56: {  	v8 =	vld [tilespmem:s2+$0xFFFFFFB0];
	[tilespmem:s0+$0x20] =	vst v0;
	v0 =	vmul.f32 $1.131370830e+01, v5  }
0x57: {  	v3 =	vmul.f32 $1.131370830e+01, v3;
	[tilespmem:s0+$0xFFFFFF20] =	vst v1;
	v4 =	vld [tilespmem:s2+$0x30]  }
0x58: {  	v5 =	vld [tilespmem:s2+$0xFFFFFF30];
	[tilespmem:s30+$0xFFFFFF60] =	vst v0;
	v2 =	vmul.f32 $1.131370830e+01, v2  }
0x59: {  	[tilespmem:s30+$0xFFFFFFE0] =	vst v3;
	v9 =	vmul.f32 $1.131370830e+01, v6;
	v1 =	vld [tilespmem:s6+$0xFFFFFF70]  }
0x5a: {  	v0 =	vld [tilespmem:s6+$0xFFFFFFF0];
	[tilespmem:s30+$0x60] =	vst v2;
	v3 =	vmul.f32 $1.131370830e+01, v7  }
0x5b: {  	s16 =	simm.s32 $0x4;
	s17 =	simm.s32 $0x1E00;
	v6 =	vmul.f32 $1.131370830e+01, v8;
	[tilespmem:s0+$0xB0] =	vst v9;
	v2 =	vld [tilespmem:s6+$0x70]  }
.LBB2_3:
0x5c: {  	v7 =	vld [tilespmem:s17+$0x80];
	v4 =	vmul.f32 $1.131370830e+01, v4;
	[tilespmem:s30+$0xF0] =	vst v3  }
0x5d: {  	s16 =	sadd.s32 $0x4, s16;
	v3 =	vmul.f32 $1.131370830e+01, v5;
	[tilespmem:s0+$0xFFFFFFB0] =	vst v6;
	v5 =	vld [tilespmem:s2+$0xC0]  }
0x5e: {  	p1 =	slt.u32 s16, $0x7C;
	v6 =	vld [tilespmem:s17+$0xFFFFFF80];
	[tilespmem:s0+$0x30] =	vst v4;
	v1 =	vmul.f32 $1.131370830e+01, v1  }
0x5f: {  	v4 =	vld [tilespmem:s17+$0x0];
	[tilespmem:s0+$0xFFFFFF30] =	vst v3;
	v0 =	vmul.f32 $1.131370830e+01, v0  }
0x60: {  	v3 =	vld [tilespmem:s17+$0xFFFFFF00];
	[tilespmem:s30+$0xFFFFFF70] =	vst v1;
	v1 =	vmul.f32 $1.131370830e+01, v2  }
0x61: {  	v2 =	vmul.f32 $1.131370830e+01, v7;
	v7 =	vld [tilespmem:s2+$0xFFFFFF40];
	[tilespmem:s30+$0xFFFFFFF0] =	vst v0  }
0x62: {  	v0 =	vld [tilespmem:s2+$0xFFFFFFC0];
	v5 =	vmul.f32 $1.131370830e+01, v5;
	[tilespmem:s30+$0x70] =	vst v1;
	s30 =	smov.u32 s0;
	s0 =	sadd.s32 $0x200, s0  }
0x63: {  	v1 =	vmul.f32 $1.131370830e+01, v6;
	[tilespmem:s0+$0x80] =	vst v2;
	v2 =	vld [tilespmem:s2+$0x40]  }
0x64: {  	v4 =	vmul.f32 $1.131370830e+01, v4;
	v6 =	vld [tilespmem:s17+$0x90];
	[tilespmem:s30+$0xC0] =	vst v5  }
0x65: {  	v3 =	vmul.f32 $1.131370830e+01, v3;
	[tilespmem:s0+$0xFFFFFF80] =	vst v1;
	v1 =	vld [tilespmem:s2+$0xD0]  }
0x66: {  	v5 =	vld [tilespmem:s17+$0xFFFFFF90];
	[tilespmem:s0+$0x0] =	vst v4;
	v4 =	vmul.f32 $1.131370830e+01, v7  }
0x67: {  	[tilespmem:s0+$0xFFFFFF00] =	vst v3;
	v3 =	vld [tilespmem:s17+$0x10];
	v0 =	vmul.f32 $1.131370830e+01, v0  }
0x68: {  	v7 =	vld [tilespmem:s17+$0xFFFFFF10];
	[tilespmem:s30+$0xFFFFFF40] =	vst v4;
	v2 =	vmul.f32 $1.131370830e+01, v2  }
0x69: {  	v4 =	vmul.f32 $1.131370830e+01, v6;
	v6 =	vld [tilespmem:s2+$0xFFFFFF50];
	[tilespmem:s30+$0xFFFFFFC0] =	vst v0  }
0x6a: {  	v0 =	vld [tilespmem:s2+$0xFFFFFFD0];
	[tilespmem:s30+$0x40] =	vst v2;
	v1 =	vmul.f32 $1.131370830e+01, v1  }
0x6b: {  	v2 =	vmul.f32 $1.131370830e+01, v5;
	[tilespmem:s0+$0x90] =	vst v4;
	v4 =	vld [tilespmem:s2+$0x50]  }
0x6c: {  	v3 =	vmul.f32 $1.131370830e+01, v3;
	v5 =	vld [tilespmem:s17+$0xA0];
	[tilespmem:s30+$0xD0] =	vst v1  }
0x6d: {  	v1 =	vmul.f32 $1.131370830e+01, v7;
	[tilespmem:s0+$0xFFFFFF90] =	vst v2;
	v2 =	vld [tilespmem:s2+$0xE0]  }
0x6e: {  	v7 =	vld [tilespmem:s17+$0xFFFFFFA0];
	[tilespmem:s0+$0x10] =	vst v3;
	v3 =	vmul.f32 $1.131370830e+01, v6  }
0x6f: {  	[tilespmem:s0+$0xFFFFFF10] =	vst v1;
	v1 =	vld [tilespmem:s17+$0x20];
	v0 =	vmul.f32 $1.131370830e+01, v0  }
0x70: {  	v6 =	vld [tilespmem:s17+$0xFFFFFF20];
	[tilespmem:s30+$0xFFFFFF50] =	vst v3;
	v3 =	vmul.f32 $1.131370830e+01, v4  }
0x71: {  	v4 =	vmul.f32 $1.131370830e+01, v5;
	v5 =	vld [tilespmem:s2+$0xFFFFFF60];
	[tilespmem:s30+$0xFFFFFFD0] =	vst v0  }
0x72: {  	v0 =	vld [tilespmem:s2+$0xFFFFFFE0];
	[tilespmem:s30+$0x50] =	vst v3;
	v2 =	vmul.f32 $1.131370830e+01, v2  }
0x73: {  	v3 =	vmul.f32 $1.131370830e+01, v7;
	[tilespmem:s0+$0xA0] =	vst v4;
	v7 =	vld [tilespmem:s2+$0x60]  }
0x74: {  	v1 =	vmul.f32 $1.131370830e+01, v1;
	v8 =	vld [tilespmem:s17+$0xB0];
	[tilespmem:s30+$0xE0] =	vst v2  }
0x75: {  	v2 =	vmul.f32 $1.131370830e+01, v6;
	[tilespmem:s0+$0xFFFFFFA0] =	vst v3;
	v3 =	vld [tilespmem:s2+$0xF0]  }
0x76: {  	v6 =	vld [tilespmem:s17+$0xFFFFFFB0];
	[tilespmem:s0+$0x20] =	vst v1;
	v1 =	vmul.f32 $1.131370830e+01, v5  }
.Ltmp0:
0x77: {  	[tilespmem:s0+$0xFFFFFF20] =	vst v2;
	v4 =	vld [tilespmem:s17+$0x30];
	v0 =	vmul.f32 $1.131370830e+01, v0;
	(pc) =	sbr.rel @p1 .LBB2_3-.Ltmp0, $4  }
0x78: {  	v5 =	vld [tilespmem:s17+$0xFFFFFF30];
	[tilespmem:s30+$0xFFFFFF60] =	vst v1;
	v2 =	vmul.f32 $1.131370830e+01, v7  }
0x79: {  	v7 =	vmul.f32 $1.131370830e+01, v8;
	v1 =	vld [tilespmem:s2+$0xFFFFFF70];
	[tilespmem:s30+$0xFFFFFFE0] =	vst v0  }
0x7a: {  	v0 =	vld [tilespmem:s2+$0xFFFFFFF0];
	[tilespmem:s30+$0x60] =	vst v2;
	v3 =	vmul.f32 $1.131370830e+01, v3  }
0x7b: {  	v6 =	vmul.f32 $1.131370830e+01, v6;
	[tilespmem:s0+$0xB0] =	vst v7;
	v2 =	vld [tilespmem:s2+$0x70];
	s2 =	smov.u32 s17;
	s17 =	sadd.s32 $0x200, s17  }
0x7c: {  	_ = 	snop  }
0x7d: {  	v5 =	vmul.f32 $1.131370830e+01, v5;
	_ =	sdelay $0x1  }
0x7e: {  	v4 =	vmul.f32 $1.131370830e+01, v4;
	v7 =	vld [tilespmem:s2+$0xC0];
	[tilespmem:s0+$0xFFFFFF30] =	vst v5  }
0x7f: {  	[tilespmem:s0+$0xFFFFFFB0] =	vst v6;
	v5 =	vld [tilespmem:s2+$0xFFFFFF40]  }
0x80: {  	[tilespmem:s0+$0x30] =	vst v4;
	v4 =	vld [tilespmem:s2+$0xFFFFFFC0]  }
0x81: {  	v6 =	vld [tilespmem:s2+$0x40];
	_ =	sdelay $0x1  }
0x82: {  	v7 =	vmul.f32 $1.131370830e+01, v7  }
0x83: {  	v5 =	vmul.f32 $1.131370830e+01, v5  }
0x84: {  	[tilespmem:s0+$0xC0] =	vst v7;
	v4 =	vmul.f32 $1.131370830e+01, v4  }
0x85: {  	v7 =	vld [tilespmem:s2+$0xD0];
	[tilespmem:s0+$0xFFFFFF40] =	vst v5;
	v5 =	vmul.f32 $1.131370830e+01, v6  }
0x86: {  	[tilespmem:s0+$0xFFFFFFC0] =	vst v4;
	v6 =	vld [tilespmem:s2+$0xFFFFFF50]  }
0x87: {  	v4 =	vld [tilespmem:s2+$0xFFFFFFD0];
	[tilespmem:s0+$0x40] =	vst v5  }
0x88: {  	v5 =	vld [tilespmem:s2+$0x50];
	_ =	sdelay $0x1  }
0x89: {  	v7 =	vmul.f32 $1.131370830e+01, v7  }
0x8a: {  	v6 =	vmul.f32 $1.131370830e+01, v6  }
0x8b: {  	[tilespmem:s0+$0xD0] =	vst v7;
	v4 =	vmul.f32 $1.131370830e+01, v4  }
0x8c: {  	v7 =	vld [tilespmem:s2+$0xE0];
	[tilespmem:s0+$0xFFFFFF50] =	vst v6;
	v5 =	vmul.f32 $1.131370830e+01, v5  }
0x8d: {  	[tilespmem:s0+$0xFFFFFFD0] =	vst v4;
	v6 =	vld [tilespmem:s2+$0xFFFFFF60]  }
0x8e: {  	v4 =	vld [tilespmem:s2+$0xFFFFFFE0];
	[tilespmem:s0+$0x50] =	vst v5  }
0x8f: {  	v5 =	vld [tilespmem:s2+$0x60];
	_ =	sdelay $0x1  }
0x90: {  	v7 =	vmul.f32 $1.131370830e+01, v7  }
0x91: {  	v6 =	vmul.f32 $1.131370830e+01, v6  }
0x92: {  	[tilespmem:s0+$0xE0] =	vst v7;
	v4 =	vmul.f32 $1.131370830e+01, v4  }
0x93: {  	v7 =	vld [tilespmem:s2+$0xF0];
	[tilespmem:s0+$0xFFFFFF60] =	vst v6;
	v5 =	vmul.f32 $1.131370830e+01, v5  }
0x94: {  	[tilespmem:s0+$0xFFFFFFE0] =	vst v4;
	v6 =	vld [tilespmem:s2+$0xFFFFFF70]  }
0x95: {  	v1 =	vmul.f32 $1.131370830e+01, v1;
	v4 =	vld [tilespmem:s2+$0xFFFFFFF0];
	[tilespmem:s0+$0x60] =	vst v5  }
0x96: {  	[tilespmem:s30+$0xF0] =	vst v3;
	v0 =	vmul.f32 $1.131370830e+01, v0;
	v3 =	vld [tilespmem:s2+$0x70]  }
0x97: {  	[tilespmem:s30+$0xFFFFFF70] =	vst v1;
	v1 =	vmul.f32 $1.131370830e+01, v2  }
0x98: {  	[tilespmem:s30+$0xFFFFFFF0] =	vst v0;
	v0 =	vmul.f32 $1.131370830e+01, v7  }
0x99: {  	s6 =	smul.u32 $0x600, s29;
	[tilespmem:s30+$0x70] =	vst v1;
	v1 =	vmul.f32 $1.131370830e+01, v6  }
0x9a: {  	s16 =	smul.u32 $0x180, s29;
	[tilespmem:s0+$0xF0] =	vst v0;
	v0 =	vmul.f32 $1.131370830e+01, v4  }
0x9b: {  	[tilespmem:s0+$0xFFFFFF70] =	vst v1;
	v1 =	vmul.f32 $1.131370830e+01, v3  }
0x9c: {  	s17 =	sadd.s32 s5, s16;
	s30 =	sshra.s32 s6, $0x2;
	[tilespmem:s0+$0xFFFFFFF0] =	vst v0  }
0x9d: {  	s9 =	sadd.s32 $0x180, s30;
	[tilespmem:s0+$0x70] =	vst v1;
	s0 =	sshll.u32 s17, $0x4  }
0x9e: {  	[tilespmem:s14], [sflag:$0x1] =	stream.indirect.gather [hbm4b:s1+s13], $0x80, s9, s13, $0xb8;
	[tilespmem:$0x19900] =	vst v63  }
0x9f: {  	s0 =	sadd.s32 s3, s0  }
0xa0: {  	[hbm4b:s0+s4] =	stream.linear.scatter [tilespmem:s19], [sflag:$0x4], $0x4000, $0x38;
	[tilespmem:$0x19900] =	vst v63  }
0xa1: {  	_ =	swait.ge [sflag:s20], $0x4000  }
0xa2: {  	[sflag:s20] =	ssyncset.done $0x0  }
0xa3: {  	s0 =	simm.s32 @!p0 $0x5;
	[sflag:s20] =	ssyncadd.s32 $0xFFFFC000  }
0xa4: {  	_ =	swait.ge @!p0 [sflag:s0], $0x4000  }
0xa5: {  	[sflag:s0] =	ssyncset.done @!p0 $0x0  }
0xa6: {  	s6 =	simm.s32 $0x5A00;
	[sflag:s0] =	ssyncadd.s32 @!p0 $0xFFFFC000  }
0xa7: {  	v0 =	vld [tilespmem:s6+$0x80];
	_ =	sdelay $0x3  }
0xa8: {  	v1 =	vld [tilespmem:s6+$0xFFFFFF00]  }
0xa9: {  	v2 =	vld [tilespmem:s6+$0xFFFFFF80];
	v0 =	vmul.f32 $1.131370830e+01, v0  }
0xaa: {  	s31 =	simm.s32 $0x11A00;
	v3 =	vld [tilespmem:s6+$0x0]  }
0xab: {  	[tilespmem:s31+$0x80] =	vst v0  }
0xac: {  	v0 =	vld [tilespmem:s6+$0x90]  }
0xad: {  	v1 =	vmul.f32 $1.131370830e+01, v1  }
0xae: {  	v2 =	vmul.f32 $1.131370830e+01, v2  }
0xaf: {  	v3 =	vmul.f32 $1.131370830e+01, v3;
	[tilespmem:s31+$0xFFFFFF00] =	vst v1  }
0xb0: {  	[tilespmem:s31+$0xFFFFFF80] =	vst v2;
	v1 =	vld [tilespmem:s6+$0xFFFFFF10]  }
0xb1: {  	[tilespmem:s31+$0x0] =	vst v3;
	v2 =	vld [tilespmem:s6+$0xFFFFFF90];
	v0 =	vmul.f32 $1.131370830e+01, v0  }
0xb2: {  	v3 =	vld [tilespmem:s6+$0x10]  }
0xb3: {  	[tilespmem:s31+$0x90] =	vst v0  }
0xb4: {  	v0 =	vld [tilespmem:s6+$0xA0]  }
0xb5: {  	v1 =	vmul.f32 $1.131370830e+01, v1  }
0xb6: {  	v2 =	vmul.f32 $1.131370830e+01, v2  }
0xb7: {  	v3 =	vmul.f32 $1.131370830e+01, v3;
	[tilespmem:s31+$0xFFFFFF10] =	vst v1  }
0xb8: {  	[tilespmem:s31+$0xFFFFFF90] =	vst v2;
	v1 =	vld [tilespmem:s6+$0xFFFFFF20]  }
0xb9: {  	[tilespmem:s31+$0x10] =	vst v3;
	v2 =	vld [tilespmem:s6+$0xFFFFFFA0];
	v0 =	vmul.f32 $1.131370830e+01, v0  }
0xba: {  	v3 =	vld [tilespmem:s6+$0x20]  }
0xbb: {  	[tilespmem:s31+$0xA0] =	vst v0  }
0xbc: {  	v0 =	vld [tilespmem:s6+$0xB0]  }
0xbd: {  	v1 =	vmul.f32 $1.131370830e+01, v1  }
0xbe: {  	v2 =	vmul.f32 $1.131370830e+01, v2  }
0xbf: {  	v3 =	vmul.f32 $1.131370830e+01, v3;
	[tilespmem:s31+$0xFFFFFF20] =	vst v1  }
0xc0: {  	[tilespmem:s31+$0xFFFFFFA0] =	vst v2;
	v1 =	vld [tilespmem:s6+$0xFFFFFF30]  }
0xc1: {  	[tilespmem:s31+$0x20] =	vst v3;
	v2 =	vld [tilespmem:s6+$0xFFFFFFB0];
	v0 =	vmul.f32 $1.131370830e+01, v0  }
0xc2: {  	s2 =	simm.s32 $0x5C00;
	v3 =	vld [tilespmem:s6+$0x30]  }
0xc3: {  	[tilespmem:s31+$0xB0] =	vst v0;
	v0 =	vld [tilespmem:s2+$0x80]  }
0xc4: {  	v4 =	vld [tilespmem:s6+$0xC0]  }
0xc5: {  	v5 =	vld [tilespmem:s2+$0xFFFFFF80];
	v1 =	vmul.f32 $1.131370830e+01, v1  }
0xc6: {  	v6 =	vld [tilespmem:s2+$0x0];
	v2 =	vmul.f32 $1.131370830e+01, v2  }
0xc7: {  	v3 =	vmul.f32 $1.131370830e+01, v3;
	[tilespmem:s31+$0xFFFFFF30] =	vst v1;
	v1 =	vld [tilespmem:s2+$0xFFFFFF00]  }
0xc8: {  	[tilespmem:s31+$0xFFFFFFB0] =	vst v2;
	v2 =	vld [tilespmem:s6+$0xFFFFFF40];
	v0 =	vmul.f32 $1.131370830e+01, v0  }
0xc9: {  	s0 =	simm.s32 $0x11C00;
	[tilespmem:s31+$0x30] =	vst v3;
	v3 =	vld [tilespmem:s6+$0xFFFFFFC0];
	v4 =	vmul.f32 $1.131370830e+01, v4  }
0xca: {  	v5 =	vmul.f32 $1.131370830e+01, v5;
	[tilespmem:s0+$0x80] =	vst v0;
	v0 =	vld [tilespmem:s6+$0x40]  }
0xcb: {  	v6 =	vmul.f32 $1.131370830e+01, v6;
	v7 =	vld [tilespmem:s2+$0x90];
	[tilespmem:s31+$0xC0] =	vst v4  }
0xcc: {  	[tilespmem:s0+$0xFFFFFF80] =	vst v5;
	v1 =	vmul.f32 $1.131370830e+01, v1;
	v4 =	vld [tilespmem:s6+$0xD0]  }
0xcd: {  	[tilespmem:s0+$0x0] =	vst v6;
	v5 =	vld [tilespmem:s2+$0xFFFFFF90];
	v2 =	vmul.f32 $1.131370830e+01, v2  }
0xce: {  	v3 =	vmul.f32 $1.131370830e+01, v3;
	[tilespmem:s0+$0xFFFFFF00] =	vst v1;
	v1 =	vld [tilespmem:s2+$0x10]  }
0xcf: {  	v6 =	vld [tilespmem:s2+$0xFFFFFF10];
	[tilespmem:s31+$0xFFFFFF40] =	vst v2;
	v0 =	vmul.f32 $1.131370830e+01, v0  }
0xd0: {  	[tilespmem:s31+$0xFFFFFFC0] =	vst v3;
	v2 =	vmul.f32 $1.131370830e+01, v7;
	v7 =	vld [tilespmem:s6+$0xFFFFFF50]  }
0xd1: {  	v3 =	vld [tilespmem:s6+$0xFFFFFFD0];
	[tilespmem:s31+$0x40] =	vst v0;
	v0 =	vmul.f32 $1.131370830e+01, v4  }
0xd2: {  	v4 =	vmul.f32 $1.131370830e+01, v5;
	[tilespmem:s0+$0x90] =	vst v2;
	v2 =	vld [tilespmem:s6+$0x50]  }
0xd3: {  	v1 =	vmul.f32 $1.131370830e+01, v1;
	v5 =	vld [tilespmem:s2+$0xA0];
	[tilespmem:s31+$0xD0] =	vst v0  }
0xd4: {  	v0 =	vmul.f32 $1.131370830e+01, v6;
	[tilespmem:s0+$0xFFFFFF90] =	vst v4;
	v4 =	vld [tilespmem:s6+$0xE0]  }
0xd5: {  	[tilespmem:s0+$0x10] =	vst v1;
	v6 =	vld [tilespmem:s2+$0xFFFFFFA0];
	v1 =	vmul.f32 $1.131370830e+01, v7  }
0xd6: {  	v3 =	vmul.f32 $1.131370830e+01, v3;
	[tilespmem:s0+$0xFFFFFF10] =	vst v0;
	v0 =	vld [tilespmem:s2+$0x20]  }
0xd7: {  	v7 =	vld [tilespmem:s2+$0xFFFFFF20];
	[tilespmem:s31+$0xFFFFFF50] =	vst v1;
	v1 =	vmul.f32 $1.131370830e+01, v2  }
0xd8: {  	[tilespmem:s31+$0xFFFFFFD0] =	vst v3;
	v2 =	vmul.f32 $1.131370830e+01, v5;
	v5 =	vld [tilespmem:s6+$0xFFFFFF60]  }
0xd9: {  	v3 =	vld [tilespmem:s6+$0xFFFFFFE0];
	[tilespmem:s31+$0x50] =	vst v1;
	v1 =	vmul.f32 $1.131370830e+01, v4  }
0xda: {  	v4 =	vmul.f32 $1.131370830e+01, v6;
	[tilespmem:s0+$0xA0] =	vst v2;
	v2 =	vld [tilespmem:s6+$0x60]  }
0xdb: {  	v0 =	vmul.f32 $1.131370830e+01, v0;
	v6 =	vld [tilespmem:s2+$0xB0];
	[tilespmem:s31+$0xE0] =	vst v1  }
0xdc: {  	v1 =	vmul.f32 $1.131370830e+01, v7;
	[tilespmem:s0+$0xFFFFFFA0] =	vst v4;
	v7 =	vld [tilespmem:s6+$0xF0]  }
0xdd: {  	v8 =	vld [tilespmem:s2+$0xFFFFFFB0];
	[tilespmem:s0+$0x20] =	vst v0;
	v0 =	vmul.f32 $1.131370830e+01, v5  }
0xde: {  	v3 =	vmul.f32 $1.131370830e+01, v3;
	[tilespmem:s0+$0xFFFFFF20] =	vst v1;
	v4 =	vld [tilespmem:s2+$0x30]  }
0xdf: {  	v5 =	vld [tilespmem:s2+$0xFFFFFF30];
	[tilespmem:s31+$0xFFFFFF60] =	vst v0;
	v2 =	vmul.f32 $1.131370830e+01, v2  }
0xe0: {  	[tilespmem:s31+$0xFFFFFFE0] =	vst v3;
	v9 =	vmul.f32 $1.131370830e+01, v6;
	v1 =	vld [tilespmem:s6+$0xFFFFFF70]  }
0xe1: {  	v0 =	vld [tilespmem:s6+$0xFFFFFFF0];
	[tilespmem:s31+$0x60] =	vst v2;
	v3 =	vmul.f32 $1.131370830e+01, v7  }
0xe2: {  	s16 =	simm.s32 $0x4;
	s17 =	simm.s32 $0x5E00;
	v6 =	vmul.f32 $1.131370830e+01, v8;
	[tilespmem:s0+$0xB0] =	vst v9;
	v2 =	vld [tilespmem:s6+$0x70]  }
.LBB2_5:
0xe3: {  	v7 =	vld [tilespmem:s17+$0x80];
	v4 =	vmul.f32 $1.131370830e+01, v4;
	[tilespmem:s31+$0xF0] =	vst v3  }
0xe4: {  	s16 =	sadd.s32 $0x4, s16;
	v3 =	vmul.f32 $1.131370830e+01, v5;
	[tilespmem:s0+$0xFFFFFFB0] =	vst v6;
	v5 =	vld [tilespmem:s2+$0xC0]  }
0xe5: {  	p1 =	slt.u32 s16, $0x7C;
	v6 =	vld [tilespmem:s17+$0xFFFFFF80];
	[tilespmem:s0+$0x30] =	vst v4;
	v1 =	vmul.f32 $1.131370830e+01, v1  }
0xe6: {  	v4 =	vld [tilespmem:s17+$0x0];
	[tilespmem:s0+$0xFFFFFF30] =	vst v3;
	v0 =	vmul.f32 $1.131370830e+01, v0  }
0xe7: {  	v3 =	vld [tilespmem:s17+$0xFFFFFF00];
	[tilespmem:s31+$0xFFFFFF70] =	vst v1;
	v1 =	vmul.f32 $1.131370830e+01, v2  }
0xe8: {  	v2 =	vmul.f32 $1.131370830e+01, v7;
	v7 =	vld [tilespmem:s2+$0xFFFFFF40];
	[tilespmem:s31+$0xFFFFFFF0] =	vst v0  }
0xe9: {  	v0 =	vld [tilespmem:s2+$0xFFFFFFC0];
	v5 =	vmul.f32 $1.131370830e+01, v5;
	[tilespmem:s31+$0x70] =	vst v1;
	s31 =	smov.u32 s0;
	s0 =	sadd.s32 $0x200, s0  }
0xea: {  	v1 =	vmul.f32 $1.131370830e+01, v6;
	[tilespmem:s0+$0x80] =	vst v2;
	v2 =	vld [tilespmem:s2+$0x40]  }
0xeb: {  	v4 =	vmul.f32 $1.131370830e+01, v4;
	v6 =	vld [tilespmem:s17+$0x90];
	[tilespmem:s31+$0xC0] =	vst v5  }
0xec: {  	v3 =	vmul.f32 $1.131370830e+01, v3;
	[tilespmem:s0+$0xFFFFFF80] =	vst v1;
	v1 =	vld [tilespmem:s2+$0xD0]  }
0xed: {  	v5 =	vld [tilespmem:s17+$0xFFFFFF90];
	[tilespmem:s0+$0x0] =	vst v4;
	v4 =	vmul.f32 $1.131370830e+01, v7  }
0xee: {  	[tilespmem:s0+$0xFFFFFF00] =	vst v3;
	v3 =	vld [tilespmem:s17+$0x10];
	v0 =	vmul.f32 $1.131370830e+01, v0  }
0xef: {  	v7 =	vld [tilespmem:s17+$0xFFFFFF10];
	[tilespmem:s31+$0xFFFFFF40] =	vst v4;
	v2 =	vmul.f32 $1.131370830e+01, v2  }
0xf0: {  	v4 =	vmul.f32 $1.131370830e+01, v6;
	v6 =	vld [tilespmem:s2+$0xFFFFFF50];
	[tilespmem:s31+$0xFFFFFFC0] =	vst v0  }
0xf1: {  	v0 =	vld [tilespmem:s2+$0xFFFFFFD0];
	[tilespmem:s31+$0x40] =	vst v2;
	v1 =	vmul.f32 $1.131370830e+01, v1  }
0xf2: {  	v2 =	vmul.f32 $1.131370830e+01, v5;
	[tilespmem:s0+$0x90] =	vst v4;
	v4 =	vld [tilespmem:s2+$0x50]  }
0xf3: {  	v3 =	vmul.f32 $1.131370830e+01, v3;
	v5 =	vld [tilespmem:s17+$0xA0];
	[tilespmem:s31+$0xD0] =	vst v1  }
0xf4: {  	v1 =	vmul.f32 $1.131370830e+01, v7;
	[tilespmem:s0+$0xFFFFFF90] =	vst v2;
	v2 =	vld [tilespmem:s2+$0xE0]  }
0xf5: {  	v7 =	vld [tilespmem:s17+$0xFFFFFFA0];
	[tilespmem:s0+$0x10] =	vst v3;
	v3 =	vmul.f32 $1.131370830e+01, v6  }
0xf6: {  	[tilespmem:s0+$0xFFFFFF10] =	vst v1;
	v1 =	vld [tilespmem:s17+$0x20];
	v0 =	vmul.f32 $1.131370830e+01, v0  }
0xf7: {  	v6 =	vld [tilespmem:s17+$0xFFFFFF20];
	[tilespmem:s31+$0xFFFFFF50] =	vst v3;
	v3 =	vmul.f32 $1.131370830e+01, v4  }
0xf8: {  	v4 =	vmul.f32 $1.131370830e+01, v5;
	v5 =	vld [tilespmem:s2+$0xFFFFFF60];
	[tilespmem:s31+$0xFFFFFFD0] =	vst v0  }
0xf9: {  	v0 =	vld [tilespmem:s2+$0xFFFFFFE0];
	[tilespmem:s31+$0x50] =	vst v3;
	v2 =	vmul.f32 $1.131370830e+01, v2  }
0xfa: {  	v3 =	vmul.f32 $1.131370830e+01, v7;
	[tilespmem:s0+$0xA0] =	vst v4;
	v7 =	vld [tilespmem:s2+$0x60]  }
0xfb: {  	v1 =	vmul.f32 $1.131370830e+01, v1;
	v8 =	vld [tilespmem:s17+$0xB0];
	[tilespmem:s31+$0xE0] =	vst v2  }
0xfc: {  	v2 =	vmul.f32 $1.131370830e+01, v6;
	[tilespmem:s0+$0xFFFFFFA0] =	vst v3;
	v3 =	vld [tilespmem:s2+$0xF0]  }
0xfd: {  	v6 =	vld [tilespmem:s17+$0xFFFFFFB0];
	[tilespmem:s0+$0x20] =	vst v1;
	v1 =	vmul.f32 $1.131370830e+01, v5  }
.Ltmp1:
0xfe: {  	[tilespmem:s0+$0xFFFFFF20] =	vst v2;
	v4 =	vld [tilespmem:s17+$0x30];
	v0 =	vmul.f32 $1.131370830e+01, v0;
	(pc) =	sbr.rel @p1 .LBB2_5-.Ltmp1, $4  }
0xff: {  	v5 =	vld [tilespmem:s17+$0xFFFFFF30];
	[tilespmem:s31+$0xFFFFFF60] =	vst v1;
	v2 =	vmul.f32 $1.131370830e+01, v7  }
0x100: {  	v7 =	vmul.f32 $1.131370830e+01, v8;
	v1 =	vld [tilespmem:s2+$0xFFFFFF70];
	[tilespmem:s31+$0xFFFFFFE0] =	vst v0  }
0x101: {  	v0 =	vld [tilespmem:s2+$0xFFFFFFF0];
	[tilespmem:s31+$0x60] =	vst v2;
	v3 =	vmul.f32 $1.131370830e+01, v3  }
0x102: {  	v6 =	vmul.f32 $1.131370830e+01, v6;
	[tilespmem:s0+$0xB0] =	vst v7;
	v2 =	vld [tilespmem:s2+$0x70];
	s2 =	smov.u32 s17;
	s17 =	sadd.s32 $0x200, s17  }
0x103: {  	_ = 	snop  }
0x104: {  	v5 =	vmul.f32 $1.131370830e+01, v5;
	_ =	sdelay $0x1  }
0x105: {  	v4 =	vmul.f32 $1.131370830e+01, v4;
	v7 =	vld [tilespmem:s2+$0xC0];
	[tilespmem:s0+$0xFFFFFF30] =	vst v5  }
0x106: {  	[tilespmem:s0+$0xFFFFFFB0] =	vst v6;
	v5 =	vld [tilespmem:s2+$0xFFFFFF40]  }
0x107: {  	[tilespmem:s0+$0x30] =	vst v4;
	v4 =	vld [tilespmem:s2+$0xFFFFFFC0]  }
0x108: {  	v6 =	vld [tilespmem:s2+$0x40];
	_ =	sdelay $0x1  }
0x109: {  	v7 =	vmul.f32 $1.131370830e+01, v7  }
0x10a: {  	v5 =	vmul.f32 $1.131370830e+01, v5  }
0x10b: {  	[tilespmem:s0+$0xC0] =	vst v7;
	v4 =	vmul.f32 $1.131370830e+01, v4  }
0x10c: {  	v7 =	vld [tilespmem:s2+$0xD0];
	[tilespmem:s0+$0xFFFFFF40] =	vst v5;
	v5 =	vmul.f32 $1.131370830e+01, v6  }
0x10d: {  	[tilespmem:s0+$0xFFFFFFC0] =	vst v4;
	v6 =	vld [tilespmem:s2+$0xFFFFFF50]  }
0x10e: {  	v4 =	vld [tilespmem:s2+$0xFFFFFFD0];
	[tilespmem:s0+$0x40] =	vst v5  }
0x10f: {  	v5 =	vld [tilespmem:s2+$0x50];
	_ =	sdelay $0x1  }
0x110: {  	v7 =	vmul.f32 $1.131370830e+01, v7  }
0x111: {  	v6 =	vmul.f32 $1.131370830e+01, v6  }
0x112: {  	[tilespmem:s0+$0xD0] =	vst v7;
	v4 =	vmul.f32 $1.131370830e+01, v4  }
0x113: {  	v7 =	vld [tilespmem:s2+$0xE0];
	[tilespmem:s0+$0xFFFFFF50] =	vst v6;
	v5 =	vmul.f32 $1.131370830e+01, v5  }
0x114: {  	[tilespmem:s0+$0xFFFFFFD0] =	vst v4;
	v6 =	vld [tilespmem:s2+$0xFFFFFF60]  }
0x115: {  	v4 =	vld [tilespmem:s2+$0xFFFFFFE0];
	[tilespmem:s0+$0x50] =	vst v5  }
0x116: {  	v5 =	vld [tilespmem:s2+$0x60];
	_ =	sdelay $0x1  }
0x117: {  	v7 =	vmul.f32 $1.131370830e+01, v7  }
0x118: {  	v6 =	vmul.f32 $1.131370830e+01, v6  }
0x119: {  	[tilespmem:s0+$0xE0] =	vst v7;
	v4 =	vmul.f32 $1.131370830e+01, v4  }
0x11a: {  	v7 =	vld [tilespmem:s2+$0xF0];
	[tilespmem:s0+$0xFFFFFF60] =	vst v6;
	v5 =	vmul.f32 $1.131370830e+01, v5  }
0x11b: {  	[tilespmem:s0+$0xFFFFFFE0] =	vst v4;
	v6 =	vld [tilespmem:s2+$0xFFFFFF70]  }
0x11c: {  	v1 =	vmul.f32 $1.131370830e+01, v1;
	v4 =	vld [tilespmem:s2+$0xFFFFFFF0];
	[tilespmem:s0+$0x60] =	vst v5  }
0x11d: {  	[tilespmem:s31+$0xF0] =	vst v3;
	v0 =	vmul.f32 $1.131370830e+01, v0;
	v3 =	vld [tilespmem:s2+$0x70]  }
0x11e: {  	[tilespmem:s31+$0xFFFFFF70] =	vst v1;
	v1 =	vmul.f32 $1.131370830e+01, v2  }
0x11f: {  	[tilespmem:s31+$0xFFFFFFF0] =	vst v0;
	v0 =	vmul.f32 $1.131370830e+01, v7  }
0x120: {  	[tilespmem:s31+$0x70] =	vst v1;
	v1 =	vmul.f32 $1.131370830e+01, v6  }
0x121: {  	s31 =	smul.u32 $0xC000, s29;
	[tilespmem:s0+$0xF0] =	vst v0;
	v0 =	vmul.f32 $1.131370830e+01, v4  }
0x122: {  	[tilespmem:s0+$0xFFFFFF70] =	vst v1;
	v1 =	vmul.f32 $1.131370830e+01, v3  }
0x123: {  	s17 =	sadd.s32 s7, s31;
	[tilespmem:s0+$0xFFFFFFF0] =	vst v0  }
0x124: {  	s16 =	sadd.s32 $0x200, s30;
	[tilespmem:s0+$0x70] =	vst v1;
	s0 =	sshrl.u32 s17, $0x3  }
0x125: {  	[tilespmem:s15], [sflag:$0x2] =	stream.indirect.gather [hbm4b:s1+s13], $0x80, s16, s13, $0xb8;
	[tilespmem:$0x19900] =	vst v63  }
0x126: {  	s0 =	sadd.s32 s3, s0  }
0x127: {  	[hbm4b:s0+s4] =	stream.linear.scatter [tilespmem:s21], [sflag:$0x5], $0x4000, $0x38;
	[tilespmem:$0x19900] =	vst v63  }
0x128: {  	_ =	swait.ge [sflag:s22], $0x4000  }
0x129: {  	[sflag:s22] =	ssyncset.done $0x0  }
0x12a: {  	s0 =	simm.s32 @!p0 $0x6;
	[sflag:s22] =	ssyncadd.s32 $0xFFFFC000  }
0x12b: {  	_ =	swait.ge @!p0 [sflag:s0], $0x4000  }
0x12c: {  	[sflag:s0] =	ssyncset.done @!p0 $0x0  }
0x12d: {  	s9 =	simm.s32 $0x9A00;
	[sflag:s0] =	ssyncadd.s32 @!p0 $0xFFFFC000  }
0x12e: {  	v0 =	vld [tilespmem:s9+$0x80];
	_ =	sdelay $0x3  }
0x12f: {  	v1 =	vld [tilespmem:s9+$0xFFFFFF00]  }
0x130: {  	v2 =	vld [tilespmem:s9+$0xFFFFFF80];
	v0 =	vmul.f32 $1.131370830e+01, v0  }
0x131: {  	s2 =	simm.s32 $0x15A00;
	v3 =	vld [tilespmem:s9+$0x0]  }
0x132: {  	[tilespmem:s2+$0x80] =	vst v0  }
0x133: {  	v0 =	vld [tilespmem:s9+$0x90]  }
0x134: {  	v1 =	vmul.f32 $1.131370830e+01, v1  }
0x135: {  	v2 =	vmul.f32 $1.131370830e+01, v2  }
0x136: {  	v3 =	vmul.f32 $1.131370830e+01, v3;
	[tilespmem:s2+$0xFFFFFF00] =	vst v1  }
0x137: {  	[tilespmem:s2+$0xFFFFFF80] =	vst v2;
	v1 =	vld [tilespmem:s9+$0xFFFFFF10]  }
0x138: {  	[tilespmem:s2+$0x0] =	vst v3;
	v2 =	vld [tilespmem:s9+$0xFFFFFF90];
	v0 =	vmul.f32 $1.131370830e+01, v0  }
0x139: {  	v3 =	vld [tilespmem:s9+$0x10]  }
0x13a: {  	[tilespmem:s2+$0x90] =	vst v0  }
0x13b: {  	v0 =	vld [tilespmem:s9+$0xA0]  }
0x13c: {  	v1 =	vmul.f32 $1.131370830e+01, v1  }
0x13d: {  	v2 =	vmul.f32 $1.131370830e+01, v2  }
0x13e: {  	v3 =	vmul.f32 $1.131370830e+01, v3;
	[tilespmem:s2+$0xFFFFFF10] =	vst v1  }
0x13f: {  	[tilespmem:s2+$0xFFFFFF90] =	vst v2;
	v1 =	vld [tilespmem:s9+$0xFFFFFF20]  }
0x140: {  	[tilespmem:s2+$0x10] =	vst v3;
	v2 =	vld [tilespmem:s9+$0xFFFFFFA0];
	v0 =	vmul.f32 $1.131370830e+01, v0  }
0x141: {  	v3 =	vld [tilespmem:s9+$0x20]  }
0x142: {  	[tilespmem:s2+$0xA0] =	vst v0  }
0x143: {  	v0 =	vld [tilespmem:s9+$0xB0]  }
0x144: {  	v1 =	vmul.f32 $1.131370830e+01, v1  }
0x145: {  	v2 =	vmul.f32 $1.131370830e+01, v2  }
0x146: {  	v3 =	vmul.f32 $1.131370830e+01, v3;
	[tilespmem:s2+$0xFFFFFF20] =	vst v1  }
0x147: {  	[tilespmem:s2+$0xFFFFFFA0] =	vst v2;
	v1 =	vld [tilespmem:s9+$0xFFFFFF30]  }
0x148: {  	[tilespmem:s2+$0x20] =	vst v3;
	v2 =	vld [tilespmem:s9+$0xFFFFFFB0];
	v0 =	vmul.f32 $1.131370830e+01, v0  }
0x149: {  	s0 =	simm.s32 $0x9C00;
	v3 =	vld [tilespmem:s9+$0x30]  }
0x14a: {  	[tilespmem:s2+$0xB0] =	vst v0;
	v0 =	vld [tilespmem:s0+$0x80]  }
0x14b: {  	v4 =	vld [tilespmem:s9+$0xC0]  }
0x14c: {  	v5 =	vld [tilespmem:s0+$0xFFFFFF80];
	v1 =	vmul.f32 $1.131370830e+01, v1  }
0x14d: {  	v6 =	vld [tilespmem:s0+$0x0];
	v2 =	vmul.f32 $1.131370830e+01, v2  }
0x14e: {  	v3 =	vmul.f32 $1.131370830e+01, v3;
	[tilespmem:s2+$0xFFFFFF30] =	vst v1;
	v1 =	vld [tilespmem:s0+$0xFFFFFF00]  }
0x14f: {  	[tilespmem:s2+$0xFFFFFFB0] =	vst v2;
	v2 =	vld [tilespmem:s9+$0xFFFFFF40];
	v0 =	vmul.f32 $1.131370830e+01, v0  }
0x150: {  	s16 =	simm.s32 $0x15C00;
	[tilespmem:s2+$0x30] =	vst v3;
	v3 =	vld [tilespmem:s9+$0xFFFFFFC0];
	v4 =	vmul.f32 $1.131370830e+01, v4  }
0x151: {  	v5 =	vmul.f32 $1.131370830e+01, v5;
	[tilespmem:s16+$0x80] =	vst v0;
	v0 =	vld [tilespmem:s9+$0x40]  }
0x152: {  	v6 =	vmul.f32 $1.131370830e+01, v6;
	v7 =	vld [tilespmem:s0+$0x90];
	[tilespmem:s2+$0xC0] =	vst v4  }
0x153: {  	[tilespmem:s16+$0xFFFFFF80] =	vst v5;
	v1 =	vmul.f32 $1.131370830e+01, v1;
	v4 =	vld [tilespmem:s9+$0xD0]  }
0x154: {  	[tilespmem:s16+$0x0] =	vst v6;
	v5 =	vld [tilespmem:s0+$0xFFFFFF90];
	v2 =	vmul.f32 $1.131370830e+01, v2  }
0x155: {  	v3 =	vmul.f32 $1.131370830e+01, v3;
	[tilespmem:s16+$0xFFFFFF00] =	vst v1;
	v1 =	vld [tilespmem:s0+$0x10]  }
0x156: {  	v6 =	vld [tilespmem:s0+$0xFFFFFF10];
	[tilespmem:s2+$0xFFFFFF40] =	vst v2;
	v0 =	vmul.f32 $1.131370830e+01, v0  }
0x157: {  	[tilespmem:s2+$0xFFFFFFC0] =	vst v3;
	v2 =	vmul.f32 $1.131370830e+01, v7;
	v7 =	vld [tilespmem:s9+$0xFFFFFF50]  }
0x158: {  	v3 =	vld [tilespmem:s9+$0xFFFFFFD0];
	[tilespmem:s2+$0x40] =	vst v0;
	v0 =	vmul.f32 $1.131370830e+01, v4  }
0x159: {  	v4 =	vmul.f32 $1.131370830e+01, v5;
	[tilespmem:s16+$0x90] =	vst v2;
	v2 =	vld [tilespmem:s9+$0x50]  }
0x15a: {  	v1 =	vmul.f32 $1.131370830e+01, v1;
	v5 =	vld [tilespmem:s0+$0xA0];
	[tilespmem:s2+$0xD0] =	vst v0  }
0x15b: {  	v0 =	vmul.f32 $1.131370830e+01, v6;
	[tilespmem:s16+$0xFFFFFF90] =	vst v4;
	v4 =	vld [tilespmem:s9+$0xE0]  }
0x15c: {  	[tilespmem:s16+$0x10] =	vst v1;
	v6 =	vld [tilespmem:s0+$0xFFFFFFA0];
	v1 =	vmul.f32 $1.131370830e+01, v7  }
0x15d: {  	v3 =	vmul.f32 $1.131370830e+01, v3;
	[tilespmem:s16+$0xFFFFFF10] =	vst v0;
	v0 =	vld [tilespmem:s0+$0x20]  }
0x15e: {  	v7 =	vld [tilespmem:s0+$0xFFFFFF20];
	[tilespmem:s2+$0xFFFFFF50] =	vst v1;
	v1 =	vmul.f32 $1.131370830e+01, v2  }
0x15f: {  	[tilespmem:s2+$0xFFFFFFD0] =	vst v3;
	v2 =	vmul.f32 $1.131370830e+01, v5;
	v5 =	vld [tilespmem:s9+$0xFFFFFF60]  }
0x160: {  	v3 =	vld [tilespmem:s9+$0xFFFFFFE0];
	[tilespmem:s2+$0x50] =	vst v1;
	v1 =	vmul.f32 $1.131370830e+01, v4  }
0x161: {  	v4 =	vmul.f32 $1.131370830e+01, v6;
	[tilespmem:s16+$0xA0] =	vst v2;
	v2 =	vld [tilespmem:s9+$0x60]  }
0x162: {  	v0 =	vmul.f32 $1.131370830e+01, v0;
	v6 =	vld [tilespmem:s0+$0xB0];
	[tilespmem:s2+$0xE0] =	vst v1  }
0x163: {  	v1 =	vmul.f32 $1.131370830e+01, v7;
	[tilespmem:s16+$0xFFFFFFA0] =	vst v4;
	v7 =	vld [tilespmem:s9+$0xF0]  }
0x164: {  	v8 =	vld [tilespmem:s0+$0xFFFFFFB0];
	[tilespmem:s16+$0x20] =	vst v0;
	v0 =	vmul.f32 $1.131370830e+01, v5  }
0x165: {  	v3 =	vmul.f32 $1.131370830e+01, v3;
	[tilespmem:s16+$0xFFFFFF20] =	vst v1;
	v4 =	vld [tilespmem:s0+$0x30]  }
0x166: {  	v5 =	vld [tilespmem:s0+$0xFFFFFF30];
	[tilespmem:s2+$0xFFFFFF60] =	vst v0;
	v2 =	vmul.f32 $1.131370830e+01, v2  }
0x167: {  	[tilespmem:s2+$0xFFFFFFE0] =	vst v3;
	v9 =	vmul.f32 $1.131370830e+01, v6;
	v1 =	vld [tilespmem:s9+$0xFFFFFF70]  }
0x168: {  	v0 =	vld [tilespmem:s9+$0xFFFFFFF0];
	[tilespmem:s2+$0x60] =	vst v2;
	v3 =	vmul.f32 $1.131370830e+01, v7  }
0x169: {  	s6 =	simm.s32 $0x9E00;
	s17 =	simm.s32 $0x4;
	v6 =	vmul.f32 $1.131370830e+01, v8;
	[tilespmem:s16+$0xB0] =	vst v9;
	v2 =	vld [tilespmem:s9+$0x70]  }
.LBB2_7:
0x16a: {  	v7 =	vld [tilespmem:s6+$0x80];
	v4 =	vmul.f32 $1.131370830e+01, v4;
	[tilespmem:s2+$0xF0] =	vst v3  }
0x16b: {  	s17 =	sadd.s32 $0x4, s17;
	v3 =	vmul.f32 $1.131370830e+01, v5;
	[tilespmem:s16+$0xFFFFFFB0] =	vst v6;
	v5 =	vld [tilespmem:s0+$0xC0]  }
0x16c: {  	p0 =	slt.u32 s17, $0x7C;
	v6 =	vld [tilespmem:s6+$0xFFFFFF80];
	[tilespmem:s16+$0x30] =	vst v4;
	v1 =	vmul.f32 $1.131370830e+01, v1  }
0x16d: {  	v4 =	vld [tilespmem:s6+$0x0];
	[tilespmem:s16+$0xFFFFFF30] =	vst v3;
	v0 =	vmul.f32 $1.131370830e+01, v0  }
0x16e: {  	v3 =	vld [tilespmem:s6+$0xFFFFFF00];
	[tilespmem:s2+$0xFFFFFF70] =	vst v1;
	v1 =	vmul.f32 $1.131370830e+01, v2  }
0x16f: {  	v2 =	vmul.f32 $1.131370830e+01, v7;
	v7 =	vld [tilespmem:s0+$0xFFFFFF40];
	[tilespmem:s2+$0xFFFFFFF0] =	vst v0  }
0x170: {  	v0 =	vld [tilespmem:s0+$0xFFFFFFC0];
	v5 =	vmul.f32 $1.131370830e+01, v5;
	[tilespmem:s2+$0x70] =	vst v1;
	s2 =	smov.u32 s16;
	s16 =	sadd.s32 $0x200, s16  }
0x171: {  	v1 =	vmul.f32 $1.131370830e+01, v6;
	[tilespmem:s16+$0x80] =	vst v2;
	v2 =	vld [tilespmem:s0+$0x40]  }
0x172: {  	v4 =	vmul.f32 $1.131370830e+01, v4;
	v6 =	vld [tilespmem:s6+$0x90];
	[tilespmem:s2+$0xC0] =	vst v5  }
0x173: {  	v3 =	vmul.f32 $1.131370830e+01, v3;
	[tilespmem:s16+$0xFFFFFF80] =	vst v1;
	v1 =	vld [tilespmem:s0+$0xD0]  }
0x174: {  	v5 =	vld [tilespmem:s6+$0xFFFFFF90];
	[tilespmem:s16+$0x0] =	vst v4;
	v4 =	vmul.f32 $1.131370830e+01, v7  }
0x175: {  	[tilespmem:s16+$0xFFFFFF00] =	vst v3;
	v3 =	vld [tilespmem:s6+$0x10];
	v0 =	vmul.f32 $1.131370830e+01, v0  }
0x176: {  	v7 =	vld [tilespmem:s6+$0xFFFFFF10];
	[tilespmem:s2+$0xFFFFFF40] =	vst v4;
	v2 =	vmul.f32 $1.131370830e+01, v2  }
0x177: {  	v4 =	vmul.f32 $1.131370830e+01, v6;
	v6 =	vld [tilespmem:s0+$0xFFFFFF50];
	[tilespmem:s2+$0xFFFFFFC0] =	vst v0  }
0x178: {  	v0 =	vld [tilespmem:s0+$0xFFFFFFD0];
	[tilespmem:s2+$0x40] =	vst v2;
	v1 =	vmul.f32 $1.131370830e+01, v1  }
0x179: {  	v2 =	vmul.f32 $1.131370830e+01, v5;
	[tilespmem:s16+$0x90] =	vst v4;
	v4 =	vld [tilespmem:s0+$0x50]  }
0x17a: {  	v3 =	vmul.f32 $1.131370830e+01, v3;
	v5 =	vld [tilespmem:s6+$0xA0];
	[tilespmem:s2+$0xD0] =	vst v1  }
0x17b: {  	v1 =	vmul.f32 $1.131370830e+01, v7;
	[tilespmem:s16+$0xFFFFFF90] =	vst v2;
	v2 =	vld [tilespmem:s0+$0xE0]  }
0x17c: {  	v7 =	vld [tilespmem:s6+$0xFFFFFFA0];
	[tilespmem:s16+$0x10] =	vst v3;
	v3 =	vmul.f32 $1.131370830e+01, v6  }
0x17d: {  	[tilespmem:s16+$0xFFFFFF10] =	vst v1;
	v1 =	vld [tilespmem:s6+$0x20];
	v0 =	vmul.f32 $1.131370830e+01, v0  }
0x17e: {  	v6 =	vld [tilespmem:s6+$0xFFFFFF20];
	[tilespmem:s2+$0xFFFFFF50] =	vst v3;
	v3 =	vmul.f32 $1.131370830e+01, v4  }
0x17f: {  	v4 =	vmul.f32 $1.131370830e+01, v5;
	v5 =	vld [tilespmem:s0+$0xFFFFFF60];
	[tilespmem:s2+$0xFFFFFFD0] =	vst v0  }
0x180: {  	v0 =	vld [tilespmem:s0+$0xFFFFFFE0];
	[tilespmem:s2+$0x50] =	vst v3;
	v2 =	vmul.f32 $1.131370830e+01, v2  }
0x181: {  	v3 =	vmul.f32 $1.131370830e+01, v7;
	[tilespmem:s16+$0xA0] =	vst v4;
	v7 =	vld [tilespmem:s0+$0x60]  }
0x182: {  	v1 =	vmul.f32 $1.131370830e+01, v1;
	v8 =	vld [tilespmem:s6+$0xB0];
	[tilespmem:s2+$0xE0] =	vst v2  }
0x183: {  	v2 =	vmul.f32 $1.131370830e+01, v6;
	[tilespmem:s16+$0xFFFFFFA0] =	vst v3;
	v3 =	vld [tilespmem:s0+$0xF0]  }
0x184: {  	v6 =	vld [tilespmem:s6+$0xFFFFFFB0];
	[tilespmem:s16+$0x20] =	vst v1;
	v1 =	vmul.f32 $1.131370830e+01, v5  }
.Ltmp2:
0x185: {  	[tilespmem:s16+$0xFFFFFF20] =	vst v2;
	v4 =	vld [tilespmem:s6+$0x30];
	v0 =	vmul.f32 $1.131370830e+01, v0;
	(pc) =	sbr.rel @p0 .LBB2_7-.Ltmp2, $4  }
0x186: {  	v5 =	vld [tilespmem:s6+$0xFFFFFF30];
	[tilespmem:s2+$0xFFFFFF60] =	vst v1;
	v2 =	vmul.f32 $1.131370830e+01, v7  }
0x187: {  	v7 =	vmul.f32 $1.131370830e+01, v8;
	v1 =	vld [tilespmem:s0+$0xFFFFFF70];
	[tilespmem:s2+$0xFFFFFFE0] =	vst v0  }
0x188: {  	v0 =	vld [tilespmem:s0+$0xFFFFFFF0];
	[tilespmem:s2+$0x60] =	vst v2;
	v3 =	vmul.f32 $1.131370830e+01, v3  }
0x189: {  	v6 =	vmul.f32 $1.131370830e+01, v6;
	[tilespmem:s16+$0xB0] =	vst v7;
	v2 =	vld [tilespmem:s0+$0x70];
	s0 =	smov.u32 s6;
	s6 =	sadd.s32 $0x200, s6  }
0x18a: {  	v4 =	vmul.f32 $1.131370830e+01, v4  }
0x18b: {  	v7 =	vld [tilespmem:s0+$0xC0];
	v5 =	vmul.f32 $1.131370830e+01, v5;
	[tilespmem:s16+$0xFFFFFFB0] =	vst v6  }
0x18c: {  	[tilespmem:s16+$0x30] =	vst v4;
	v51 =	vld [tilespmem:s0+$0xFFFFFFC0]  }
0x18d: {  	[tilespmem:s16+$0xFFFFFF30] =	vst v5;
	v52 =	vld [tilespmem:s0+$0x40]  }
0x18e: {  	v5 =	vld [tilespmem:s0+$0xFFFFFF40];
	_ =	sdelay $0x1  }
0x18f: {  	v7 =	vmul.f32 $1.131370830e+01, v7  }
0x190: {  	v4 =	vmul.f32 $1.131370830e+01, v51  }
0x191: {  	[tilespmem:s16+$0xC0] =	vst v7;
	v53 =	vmul.f32 $1.131370830e+01, v52  }
0x192: {  	v7 =	vld [tilespmem:s0+$0xD0];
	v5 =	vmul.f32 $1.131370830e+01, v5;
	[tilespmem:s16+$0xFFFFFFC0] =	vst v4  }
0x193: {  	v4 =	vld [tilespmem:s0+$0xFFFFFFD0];
	[tilespmem:s16+$0x40] =	vst v53  }
0x194: {  	[tilespmem:s16+$0xFFFFFF40] =	vst v5;
	v5 =	vld [tilespmem:s0+$0x50]  }
0x195: {  	v54 =	vld [tilespmem:s0+$0xFFFFFF50];
	_ =	sdelay $0x1  }
0x196: {  	v7 =	vmul.f32 $1.131370830e+01, v7  }
0x197: {  	v4 =	vmul.f32 $1.131370830e+01, v4  }
0x198: {  	[tilespmem:s16+$0xD0] =	vst v7;
	v5 =	vmul.f32 $1.131370830e+01, v5  }
0x199: {  	v7 =	vld [tilespmem:s0+$0xE0];
	v6 =	vmul.f32 $1.131370830e+01, v54;
	[tilespmem:s16+$0xFFFFFFD0] =	vst v4  }
0x19a: {  	v4 =	vld [tilespmem:s0+$0xFFFFFFE0];
	[tilespmem:s16+$0x50] =	vst v5  }
0x19b: {  	[tilespmem:s16+$0xFFFFFF50] =	vst v6;
	v5 =	vld [tilespmem:s0+$0x60]  }
0x19c: {  	v6 =	vld [tilespmem:s0+$0xFFFFFF60];
	_ =	sdelay $0x1  }
0x19d: {  	v7 =	vmul.f32 $1.131370830e+01, v7  }
0x19e: {  	v4 =	vmul.f32 $1.131370830e+01, v4  }
0x19f: {  	[tilespmem:s16+$0xE0] =	vst v7;
	v5 =	vmul.f32 $1.131370830e+01, v5  }
0x1a0: {  	v55 =	vld [tilespmem:s0+$0xF0];
	v6 =	vmul.f32 $1.131370830e+01, v6;
	[tilespmem:s16+$0xFFFFFFE0] =	vst v4  }
0x1a1: {  	[tilespmem:s16+$0x60] =	vst v5;
	v57 =	vld [tilespmem:s0+$0xFFFFFFF0]  }
0x1a2: {  	v1 =	vmul.f32 $1.131370830e+01, v1;
	[tilespmem:s16+$0xFFFFFF60] =	vst v6;
	v58 =	vld [tilespmem:s0+$0x70]  }
0x1a3: {  	[tilespmem:s2+$0xF0] =	vst v3;
	v0 =	vmul.f32 $1.131370830e+01, v0;
	v56 =	vld [tilespmem:s0+$0xFFFFFF70]  }
0x1a4: {  	[tilespmem:s2+$0xFFFFFF70] =	vst v1;
	v59 =	vmul.f32 $1.131370830e+01, v2  }
0x1a5: {  	[tilespmem:s2+$0xFFFFFFF0] =	vst v0;
	v60 =	vmul.f32 $1.131370830e+01, v55  }
0x1a6: {  	[tilespmem:s2+$0x70] =	vst v59;
	v62 =	vmul.f32 $1.131370830e+01, v57  }
0x1a7: {  	[tilespmem:s16+$0xF0] =	vst v60;
	v63 =	vmul.f32 $1.131370830e+01, v58  }
0x1a8: {  	v61 =	vmul.f32 $1.131370830e+01, v56;
	[tilespmem:s16+$0xFFFFFFF0] =	vst v62  }
0x1a9: {  	p0 =	seq.s32 s29, $0xF;
	s29 =	sadd.s32 $0x1, s29;
	[tilespmem:s16+$0x70] =	vst v63  }
0x1aa: {  	s6 =	simm.s32 @!p0 $0x9900;
	s2 =	simm.s32 @!p0 $0x80;
	s0 =	sadd.s32 @!p0 $0x280, s30;
	[tilespmem:s16+$0xFFFFFF70] =	vst v61  }
0x1ab: {  	[tilespmem:s6], [sflag:$0x3] =	stream.indirect.gather @!p0 [hbm4b:s1+s2], $0x80, s0, s2, $0xb8;
	[tilespmem:$0x19900] =	vst v63  }
0x1ac: {  	p0 =	sne.s32 s29, $0x10  }
.Ltmp3:
0x1ad: {  	_ = 	snop;
	(pc) =	sbr.rel @p0 .LBB2_2-.Ltmp3, $4  }
0x1ae: {  	s31 =	sadd.s32 s8, s31  }
0x1af: {  	s0 =	sshrl.u32 s31, $0x3  }
0x1b0: {  	s0 =	sadd.s32 s3, s0  }
0x1b1: {  	[hbm4b:s0+s4] =	stream.linear.scatter [tilespmem:s23], [sflag:$0x6], $0x4000, $0x38;
	[tilespmem:$0x19900] =	vst v63  }
0x1b2: {  	_ =	swait.ge [sflag:s18], $0x4000  }
0x1b3: {  	[sflag:s18] =	ssyncset.done $0x0  }
0x1b4: {  	[sflag:s18] =	ssyncadd.s32 $0xFFFFC000  }
0x1b5: {  	_ =	swait.ge [sflag:s24], $0x4000  }
0x1b6: {  	[sflag:s24] =	ssyncset.done $0x0  }
0x1b7: {  	s9 =	simm.s32 $0x1A00;
	[sflag:s24] =	ssyncadd.s32 $0xFFFFC000  }
0x1b8: {  	v0 =	vld [tilespmem:s9+$0x80];
	_ =	sdelay $0x3  }
0x1b9: {  	v1 =	vld [tilespmem:s9+$0xFFFFFF00]  }
0x1ba: {  	v2 =	vld [tilespmem:s9+$0xFFFFFF80];
	v0 =	vmul.f32 $1.131370830e+01, v0  }
0x1bb: {  	s2 =	simm.s32 $0xDA00;
	v3 =	vld [tilespmem:s9+$0x0]  }
0x1bc: {  	[tilespmem:s2+$0x80] =	vst v0  }
0x1bd: {  	v0 =	vld [tilespmem:s9+$0x90]  }
0x1be: {  	v1 =	vmul.f32 $1.131370830e+01, v1  }
0x1bf: {  	v2 =	vmul.f32 $1.131370830e+01, v2  }
0x1c0: {  	v3 =	vmul.f32 $1.131370830e+01, v3;
	[tilespmem:s2+$0xFFFFFF00] =	vst v1  }
0x1c1: {  	[tilespmem:s2+$0xFFFFFF80] =	vst v2;
	v1 =	vld [tilespmem:s9+$0xFFFFFF10]  }
0x1c2: {  	[tilespmem:s2+$0x0] =	vst v3;
	v2 =	vld [tilespmem:s9+$0xFFFFFF90];
	v0 =	vmul.f32 $1.131370830e+01, v0  }
0x1c3: {  	v3 =	vld [tilespmem:s9+$0x10]  }
0x1c4: {  	[tilespmem:s2+$0x90] =	vst v0  }
0x1c5: {  	v0 =	vld [tilespmem:s9+$0xA0]  }
0x1c6: {  	v1 =	vmul.f32 $1.131370830e+01, v1  }
0x1c7: {  	v2 =	vmul.f32 $1.131370830e+01, v2  }
0x1c8: {  	v3 =	vmul.f32 $1.131370830e+01, v3;
	[tilespmem:s2+$0xFFFFFF10] =	vst v1  }
0x1c9: {  	[tilespmem:s2+$0xFFFFFF90] =	vst v2;
	v1 =	vld [tilespmem:s9+$0xFFFFFF20]  }
0x1ca: {  	[tilespmem:s2+$0x10] =	vst v3;
	v2 =	vld [tilespmem:s9+$0xFFFFFFA0];
	v0 =	vmul.f32 $1.131370830e+01, v0  }
0x1cb: {  	v3 =	vld [tilespmem:s9+$0x20]  }
0x1cc: {  	[tilespmem:s2+$0xA0] =	vst v0  }
0x1cd: {  	v0 =	vld [tilespmem:s9+$0xB0]  }
0x1ce: {  	v1 =	vmul.f32 $1.131370830e+01, v1  }
0x1cf: {  	v2 =	vmul.f32 $1.131370830e+01, v2  }
0x1d0: {  	v3 =	vmul.f32 $1.131370830e+01, v3;
	[tilespmem:s2+$0xFFFFFF20] =	vst v1  }
0x1d1: {  	[tilespmem:s2+$0xFFFFFFA0] =	vst v2;
	v1 =	vld [tilespmem:s9+$0xFFFFFF30]  }
0x1d2: {  	[tilespmem:s2+$0x20] =	vst v3;
	v2 =	vld [tilespmem:s9+$0xFFFFFFB0];
	v0 =	vmul.f32 $1.131370830e+01, v0  }
0x1d3: {  	s0 =	simm.s32 $0x1C00;
	v3 =	vld [tilespmem:s9+$0x30]  }
0x1d4: {  	[tilespmem:s2+$0xB0] =	vst v0;
	v0 =	vld [tilespmem:s0+$0x80]  }
0x1d5: {  	v4 =	vld [tilespmem:s9+$0xC0]  }
0x1d6: {  	v5 =	vld [tilespmem:s0+$0xFFFFFF80];
	v1 =	vmul.f32 $1.131370830e+01, v1  }
0x1d7: {  	v6 =	vld [tilespmem:s0+$0x0];
	v2 =	vmul.f32 $1.131370830e+01, v2  }
0x1d8: {  	v3 =	vmul.f32 $1.131370830e+01, v3;
	[tilespmem:s2+$0xFFFFFF30] =	vst v1;
	v1 =	vld [tilespmem:s0+$0xFFFFFF00]  }
0x1d9: {  	[tilespmem:s2+$0xFFFFFFB0] =	vst v2;
	v2 =	vld [tilespmem:s9+$0xFFFFFF40];
	v0 =	vmul.f32 $1.131370830e+01, v0  }
0x1da: {  	s16 =	simm.s32 $0xDC00;
	[tilespmem:s2+$0x30] =	vst v3;
	v3 =	vld [tilespmem:s9+$0xFFFFFFC0];
	v4 =	vmul.f32 $1.131370830e+01, v4  }
0x1db: {  	v5 =	vmul.f32 $1.131370830e+01, v5;
	[tilespmem:s16+$0x80] =	vst v0;
	v0 =	vld [tilespmem:s9+$0x40]  }
0x1dc: {  	v6 =	vmul.f32 $1.131370830e+01, v6;
	v7 =	vld [tilespmem:s0+$0x90];
	[tilespmem:s2+$0xC0] =	vst v4  }
0x1dd: {  	[tilespmem:s16+$0xFFFFFF80] =	vst v5;
	v1 =	vmul.f32 $1.131370830e+01, v1;
	v4 =	vld [tilespmem:s9+$0xD0]  }
0x1de: {  	[tilespmem:s16+$0x0] =	vst v6;
	v5 =	vld [tilespmem:s0+$0xFFFFFF90];
	v2 =	vmul.f32 $1.131370830e+01, v2  }
0x1df: {  	v3 =	vmul.f32 $1.131370830e+01, v3;
	[tilespmem:s16+$0xFFFFFF00] =	vst v1;
	v1 =	vld [tilespmem:s0+$0x10]  }
0x1e0: {  	v6 =	vld [tilespmem:s0+$0xFFFFFF10];
	[tilespmem:s2+$0xFFFFFF40] =	vst v2;
	v0 =	vmul.f32 $1.131370830e+01, v0  }
0x1e1: {  	[tilespmem:s2+$0xFFFFFFC0] =	vst v3;
	v2 =	vmul.f32 $1.131370830e+01, v7;
	v7 =	vld [tilespmem:s9+$0xFFFFFF50]  }
0x1e2: {  	v3 =	vld [tilespmem:s9+$0xFFFFFFD0];
	[tilespmem:s2+$0x40] =	vst v0;
	v0 =	vmul.f32 $1.131370830e+01, v4  }
0x1e3: {  	v4 =	vmul.f32 $1.131370830e+01, v5;
	[tilespmem:s16+$0x90] =	vst v2;
	v2 =	vld [tilespmem:s9+$0x50]  }
0x1e4: {  	v1 =	vmul.f32 $1.131370830e+01, v1;
	v5 =	vld [tilespmem:s0+$0xA0];
	[tilespmem:s2+$0xD0] =	vst v0  }
0x1e5: {  	v0 =	vmul.f32 $1.131370830e+01, v6;
	[tilespmem:s16+$0xFFFFFF90] =	vst v4;
	v4 =	vld [tilespmem:s9+$0xE0]  }
0x1e6: {  	[tilespmem:s16+$0x10] =	vst v1;
	v6 =	vld [tilespmem:s0+$0xFFFFFFA0];
	v1 =	vmul.f32 $1.131370830e+01, v7  }
0x1e7: {  	v3 =	vmul.f32 $1.131370830e+01, v3;
	[tilespmem:s16+$0xFFFFFF10] =	vst v0;
	v0 =	vld [tilespmem:s0+$0x20]  }
0x1e8: {  	v7 =	vld [tilespmem:s0+$0xFFFFFF20];
	[tilespmem:s2+$0xFFFFFF50] =	vst v1;
	v1 =	vmul.f32 $1.131370830e+01, v2  }
0x1e9: {  	[tilespmem:s2+$0xFFFFFFD0] =	vst v3;
	v2 =	vmul.f32 $1.131370830e+01, v5;
	v5 =	vld [tilespmem:s9+$0xFFFFFF60]  }
0x1ea: {  	v3 =	vld [tilespmem:s9+$0xFFFFFFE0];
	[tilespmem:s2+$0x50] =	vst v1;
	v1 =	vmul.f32 $1.131370830e+01, v4  }
0x1eb: {  	v4 =	vmul.f32 $1.131370830e+01, v6;
	[tilespmem:s16+$0xA0] =	vst v2;
	v2 =	vld [tilespmem:s9+$0x60]  }
0x1ec: {  	v0 =	vmul.f32 $1.131370830e+01, v0;
	v6 =	vld [tilespmem:s0+$0xB0];
	[tilespmem:s2+$0xE0] =	vst v1  }
0x1ed: {  	v1 =	vmul.f32 $1.131370830e+01, v7;
	[tilespmem:s16+$0xFFFFFFA0] =	vst v4;
	v7 =	vld [tilespmem:s9+$0xF0]  }
0x1ee: {  	v8 =	vld [tilespmem:s0+$0xFFFFFFB0];
	[tilespmem:s16+$0x20] =	vst v0;
	v0 =	vmul.f32 $1.131370830e+01, v5  }
0x1ef: {  	v3 =	vmul.f32 $1.131370830e+01, v3;
	[tilespmem:s16+$0xFFFFFF20] =	vst v1;
	v4 =	vld [tilespmem:s0+$0x30]  }
0x1f0: {  	v5 =	vld [tilespmem:s0+$0xFFFFFF30];
	[tilespmem:s2+$0xFFFFFF60] =	vst v0;
	v2 =	vmul.f32 $1.131370830e+01, v2  }
0x1f1: {  	[tilespmem:s2+$0xFFFFFFE0] =	vst v3;
	v9 =	vmul.f32 $1.131370830e+01, v6;
	v1 =	vld [tilespmem:s9+$0xFFFFFF70]  }
0x1f2: {  	v0 =	vld [tilespmem:s9+$0xFFFFFFF0];
	[tilespmem:s2+$0x60] =	vst v2;
	v3 =	vmul.f32 $1.131370830e+01, v7  }
0x1f3: {  	s17 =	simm.s32 $0x4;
	s6 =	simm.s32 $0x1E00;
	v6 =	vmul.f32 $1.131370830e+01, v8;
	[tilespmem:s16+$0xB0] =	vst v9;
	v2 =	vld [tilespmem:s9+$0x70]  }
.LBB2_10:
0x1f4: {  	v7 =	vld [tilespmem:s6+$0x80];
	v4 =	vmul.f32 $1.131370830e+01, v4;
	[tilespmem:s2+$0xF0] =	vst v3  }
0x1f5: {  	s17 =	sadd.s32 $0x4, s17;
	v3 =	vmul.f32 $1.131370830e+01, v5;
	[tilespmem:s16+$0xFFFFFFB0] =	vst v6;
	v5 =	vld [tilespmem:s0+$0xC0]  }
0x1f6: {  	p0 =	slt.u32 s17, $0x7C;
	v6 =	vld [tilespmem:s6+$0xFFFFFF80];
	[tilespmem:s16+$0x30] =	vst v4;
	v1 =	vmul.f32 $1.131370830e+01, v1  }
0x1f7: {  	v4 =	vld [tilespmem:s6+$0x0];
	[tilespmem:s16+$0xFFFFFF30] =	vst v3;
	v0 =	vmul.f32 $1.131370830e+01, v0  }
0x1f8: {  	v3 =	vld [tilespmem:s6+$0xFFFFFF00];
	[tilespmem:s2+$0xFFFFFF70] =	vst v1;
	v1 =	vmul.f32 $1.131370830e+01, v2  }
0x1f9: {  	v2 =	vmul.f32 $1.131370830e+01, v7;
	v7 =	vld [tilespmem:s0+$0xFFFFFF40];
	[tilespmem:s2+$0xFFFFFFF0] =	vst v0  }
0x1fa: {  	v0 =	vld [tilespmem:s0+$0xFFFFFFC0];
	v5 =	vmul.f32 $1.131370830e+01, v5;
	[tilespmem:s2+$0x70] =	vst v1;
	s2 =	smov.u32 s16;
	s16 =	sadd.s32 $0x200, s16  }
0x1fb: {  	v1 =	vmul.f32 $1.131370830e+01, v6;
	[tilespmem:s16+$0x80] =	vst v2;
	v2 =	vld [tilespmem:s0+$0x40]  }
0x1fc: {  	v4 =	vmul.f32 $1.131370830e+01, v4;
	v6 =	vld [tilespmem:s6+$0x90];
	[tilespmem:s2+$0xC0] =	vst v5  }
0x1fd: {  	v3 =	vmul.f32 $1.131370830e+01, v3;
	[tilespmem:s16+$0xFFFFFF80] =	vst v1;
	v1 =	vld [tilespmem:s0+$0xD0]  }
0x1fe: {  	v5 =	vld [tilespmem:s6+$0xFFFFFF90];
	[tilespmem:s16+$0x0] =	vst v4;
	v4 =	vmul.f32 $1.131370830e+01, v7  }
0x1ff: {  	[tilespmem:s16+$0xFFFFFF00] =	vst v3;
	v3 =	vld [tilespmem:s6+$0x10];
	v0 =	vmul.f32 $1.131370830e+01, v0  }
0x200: {  	v7 =	vld [tilespmem:s6+$0xFFFFFF10];
	[tilespmem:s2+$0xFFFFFF40] =	vst v4;
	v2 =	vmul.f32 $1.131370830e+01, v2  }
0x201: {  	v4 =	vmul.f32 $1.131370830e+01, v6;
	v6 =	vld [tilespmem:s0+$0xFFFFFF50];
	[tilespmem:s2+$0xFFFFFFC0] =	vst v0  }
0x202: {  	v0 =	vld [tilespmem:s0+$0xFFFFFFD0];
	[tilespmem:s2+$0x40] =	vst v2;
	v1 =	vmul.f32 $1.131370830e+01, v1  }
0x203: {  	v2 =	vmul.f32 $1.131370830e+01, v5;
	[tilespmem:s16+$0x90] =	vst v4;
	v4 =	vld [tilespmem:s0+$0x50]  }
0x204: {  	v3 =	vmul.f32 $1.131370830e+01, v3;
	v5 =	vld [tilespmem:s6+$0xA0];
	[tilespmem:s2+$0xD0] =	vst v1  }
0x205: {  	v1 =	vmul.f32 $1.131370830e+01, v7;
	[tilespmem:s16+$0xFFFFFF90] =	vst v2;
	v2 =	vld [tilespmem:s0+$0xE0]  }
0x206: {  	v7 =	vld [tilespmem:s6+$0xFFFFFFA0];
	[tilespmem:s16+$0x10] =	vst v3;
	v3 =	vmul.f32 $1.131370830e+01, v6  }
0x207: {  	[tilespmem:s16+$0xFFFFFF10] =	vst v1;
	v1 =	vld [tilespmem:s6+$0x20];
	v0 =	vmul.f32 $1.131370830e+01, v0  }
0x208: {  	v6 =	vld [tilespmem:s6+$0xFFFFFF20];
	[tilespmem:s2+$0xFFFFFF50] =	vst v3;
	v3 =	vmul.f32 $1.131370830e+01, v4  }
0x209: {  	v4 =	vmul.f32 $1.131370830e+01, v5;
	v5 =	vld [tilespmem:s0+$0xFFFFFF60];
	[tilespmem:s2+$0xFFFFFFD0] =	vst v0  }
0x20a: {  	v0 =	vld [tilespmem:s0+$0xFFFFFFE0];
	[tilespmem:s2+$0x50] =	vst v3;
	v2 =	vmul.f32 $1.131370830e+01, v2  }
0x20b: {  	v3 =	vmul.f32 $1.131370830e+01, v7;
	[tilespmem:s16+$0xA0] =	vst v4;
	v7 =	vld [tilespmem:s0+$0x60]  }
0x20c: {  	v1 =	vmul.f32 $1.131370830e+01, v1;
	v8 =	vld [tilespmem:s6+$0xB0];
	[tilespmem:s2+$0xE0] =	vst v2  }
0x20d: {  	v2 =	vmul.f32 $1.131370830e+01, v6;
	[tilespmem:s16+$0xFFFFFFA0] =	vst v3;
	v3 =	vld [tilespmem:s0+$0xF0]  }
0x20e: {  	v6 =	vld [tilespmem:s6+$0xFFFFFFB0];
	[tilespmem:s16+$0x20] =	vst v1;
	v1 =	vmul.f32 $1.131370830e+01, v5  }
.Ltmp4:
0x20f: {  	[tilespmem:s16+$0xFFFFFF20] =	vst v2;
	v4 =	vld [tilespmem:s6+$0x30];
	v0 =	vmul.f32 $1.131370830e+01, v0;
	(pc) =	sbr.rel @p0 .LBB2_10-.Ltmp4, $4  }
0x210: {  	v5 =	vld [tilespmem:s6+$0xFFFFFF30];
	[tilespmem:s2+$0xFFFFFF60] =	vst v1;
	v2 =	vmul.f32 $1.131370830e+01, v7  }
0x211: {  	v7 =	vmul.f32 $1.131370830e+01, v8;
	v1 =	vld [tilespmem:s0+$0xFFFFFF70];
	[tilespmem:s2+$0xFFFFFFE0] =	vst v0  }
0x212: {  	v0 =	vld [tilespmem:s0+$0xFFFFFFF0];
	[tilespmem:s2+$0x60] =	vst v2;
	v3 =	vmul.f32 $1.131370830e+01, v3  }
0x213: {  	v6 =	vmul.f32 $1.131370830e+01, v6;
	[tilespmem:s16+$0xB0] =	vst v7;
	v2 =	vld [tilespmem:s0+$0x70];
	s0 =	smov.u32 s6;
	s6 =	sadd.s32 $0x200, s6  }
0x214: {  	_ = 	snop  }
0x215: {  	v5 =	vmul.f32 $1.131370830e+01, v5;
	_ =	sdelay $0x1  }
0x216: {  	v4 =	vmul.f32 $1.131370830e+01, v4;
	v7 =	vld [tilespmem:s0+$0xC0];
	[tilespmem:s16+$0xFFFFFF30] =	vst v5  }
0x217: {  	[tilespmem:s16+$0xFFFFFFB0] =	vst v6;
	v5 =	vld [tilespmem:s0+$0xFFFFFF40]  }
0x218: {  	[tilespmem:s16+$0x30] =	vst v4;
	v4 =	vld [tilespmem:s0+$0xFFFFFFC0]  }
0x219: {  	v6 =	vld [tilespmem:s0+$0x40];
	_ =	sdelay $0x1  }
0x21a: {  	v7 =	vmul.f32 $1.131370830e+01, v7  }
0x21b: {  	v5 =	vmul.f32 $1.131370830e+01, v5  }
0x21c: {  	[tilespmem:s16+$0xC0] =	vst v7;
	v4 =	vmul.f32 $1.131370830e+01, v4  }
0x21d: {  	v7 =	vld [tilespmem:s0+$0xD0];
	[tilespmem:s16+$0xFFFFFF40] =	vst v5;
	v5 =	vmul.f32 $1.131370830e+01, v6  }
0x21e: {  	[tilespmem:s16+$0xFFFFFFC0] =	vst v4;
	v6 =	vld [tilespmem:s0+$0xFFFFFF50]  }
0x21f: {  	v4 =	vld [tilespmem:s0+$0xFFFFFFD0];
	[tilespmem:s16+$0x40] =	vst v5  }
0x220: {  	v5 =	vld [tilespmem:s0+$0x50];
	_ =	sdelay $0x1  }
0x221: {  	v7 =	vmul.f32 $1.131370830e+01, v7  }
0x222: {  	v6 =	vmul.f32 $1.131370830e+01, v6  }
0x223: {  	[tilespmem:s16+$0xD0] =	vst v7;
	v4 =	vmul.f32 $1.131370830e+01, v4  }
0x224: {  	v7 =	vld [tilespmem:s0+$0xE0];
	[tilespmem:s16+$0xFFFFFF50] =	vst v6;
	v5 =	vmul.f32 $1.131370830e+01, v5  }
0x225: {  	[tilespmem:s16+$0xFFFFFFD0] =	vst v4;
	v6 =	vld [tilespmem:s0+$0xFFFFFF60]  }
0x226: {  	v4 =	vld [tilespmem:s0+$0xFFFFFFE0];
	[tilespmem:s16+$0x50] =	vst v5  }
0x227: {  	v5 =	vld [tilespmem:s0+$0x60];
	_ =	sdelay $0x1  }
0x228: {  	v7 =	vmul.f32 $1.131370830e+01, v7  }
0x229: {  	v6 =	vmul.f32 $1.131370830e+01, v6  }
0x22a: {  	[tilespmem:s16+$0xE0] =	vst v7;
	v4 =	vmul.f32 $1.131370830e+01, v4  }
0x22b: {  	v7 =	vld [tilespmem:s0+$0xF0];
	[tilespmem:s16+$0xFFFFFF60] =	vst v6;
	v5 =	vmul.f32 $1.131370830e+01, v5  }
0x22c: {  	[tilespmem:s16+$0xFFFFFFE0] =	vst v4;
	v6 =	vld [tilespmem:s0+$0xFFFFFF70]  }
0x22d: {  	v1 =	vmul.f32 $1.131370830e+01, v1;
	v4 =	vld [tilespmem:s0+$0xFFFFFFF0];
	[tilespmem:s16+$0x60] =	vst v5  }
0x22e: {  	[tilespmem:s2+$0xF0] =	vst v3;
	v0 =	vmul.f32 $1.131370830e+01, v0;
	v3 =	vld [tilespmem:s0+$0x70]  }
0x22f: {  	[tilespmem:s2+$0xFFFFFF70] =	vst v1;
	v1 =	vmul.f32 $1.131370830e+01, v2  }
0x230: {  	[tilespmem:s2+$0xFFFFFFF0] =	vst v0;
	v0 =	vmul.f32 $1.131370830e+01, v7  }
0x231: {  	[tilespmem:s2+$0x70] =	vst v1;
	v1 =	vmul.f32 $1.131370830e+01, v6  }
0x232: {  	[tilespmem:s16+$0xF0] =	vst v0;
	v0 =	vmul.f32 $1.131370830e+01, v4  }
0x233: {  	[tilespmem:s16+$0xFFFFFF70] =	vst v1;
	v1 =	vmul.f32 $1.131370830e+01, v3  }
0x234: {  	[tilespmem:s16+$0xFFFFFFF0] =	vst v0  }
0x235: {  	[tilespmem:s16+$0x70] =	vst v1  }
0x236: {  	s31 =	rddreg [dreg:$0x5]  }
0x237: {  	[hbm4b:s31+s4] =	stream.linear.scatter [tilespmem:s19], [sflag:$0x4], $0x4000, $0x38;
	[tilespmem:$0x19900] =	vst v63  }
0x238: {  	_ =	swait.ge [sflag:s20], $0x4000  }
0x239: {  	[sflag:s20] =	ssyncset.done $0x0  }
0x23a: {  	[sflag:s20] =	ssyncadd.s32 $0xFFFFC000  }
0x23b: {  	_ =	swait.ge [sflag:s25], $0x4000  }
0x23c: {  	[sflag:s25] =	ssyncset.done $0x0  }
0x23d: {  	s9 =	simm.s32 $0x5A00;
	[sflag:s25] =	ssyncadd.s32 $0xFFFFC000  }
0x23e: {  	v0 =	vld [tilespmem:s9+$0x80];
	_ =	sdelay $0x3  }
0x23f: {  	v1 =	vld [tilespmem:s9+$0xFFFFFF00]  }
0x240: {  	v2 =	vld [tilespmem:s9+$0xFFFFFF80];
	v0 =	vmul.f32 $1.131370830e+01, v0  }
0x241: {  	s2 =	simm.s32 $0x11A00;
	v3 =	vld [tilespmem:s9+$0x0]  }
0x242: {  	[tilespmem:s2+$0x80] =	vst v0  }
0x243: {  	v0 =	vld [tilespmem:s9+$0x90]  }
0x244: {  	v1 =	vmul.f32 $1.131370830e+01, v1  }
0x245: {  	v2 =	vmul.f32 $1.131370830e+01, v2  }
0x246: {  	v3 =	vmul.f32 $1.131370830e+01, v3;
	[tilespmem:s2+$0xFFFFFF00] =	vst v1  }
0x247: {  	[tilespmem:s2+$0xFFFFFF80] =	vst v2;
	v1 =	vld [tilespmem:s9+$0xFFFFFF10]  }
0x248: {  	[tilespmem:s2+$0x0] =	vst v3;
	v2 =	vld [tilespmem:s9+$0xFFFFFF90];
	v0 =	vmul.f32 $1.131370830e+01, v0  }
0x249: {  	v3 =	vld [tilespmem:s9+$0x10]  }
0x24a: {  	[tilespmem:s2+$0x90] =	vst v0  }
0x24b: {  	v0 =	vld [tilespmem:s9+$0xA0]  }
0x24c: {  	v1 =	vmul.f32 $1.131370830e+01, v1  }
0x24d: {  	v2 =	vmul.f32 $1.131370830e+01, v2  }
0x24e: {  	v3 =	vmul.f32 $1.131370830e+01, v3;
	[tilespmem:s2+$0xFFFFFF10] =	vst v1  }
0x24f: {  	[tilespmem:s2+$0xFFFFFF90] =	vst v2;
	v1 =	vld [tilespmem:s9+$0xFFFFFF20]  }
0x250: {  	[tilespmem:s2+$0x10] =	vst v3;
	v2 =	vld [tilespmem:s9+$0xFFFFFFA0];
	v0 =	vmul.f32 $1.131370830e+01, v0  }
0x251: {  	v3 =	vld [tilespmem:s9+$0x20]  }
0x252: {  	[tilespmem:s2+$0xA0] =	vst v0  }
0x253: {  	v0 =	vld [tilespmem:s9+$0xB0]  }
0x254: {  	v1 =	vmul.f32 $1.131370830e+01, v1  }
0x255: {  	v2 =	vmul.f32 $1.131370830e+01, v2  }
0x256: {  	v3 =	vmul.f32 $1.131370830e+01, v3;
	[tilespmem:s2+$0xFFFFFF20] =	vst v1  }
0x257: {  	[tilespmem:s2+$0xFFFFFFA0] =	vst v2;
	v1 =	vld [tilespmem:s9+$0xFFFFFF30]  }
0x258: {  	[tilespmem:s2+$0x20] =	vst v3;
	v2 =	vld [tilespmem:s9+$0xFFFFFFB0];
	v0 =	vmul.f32 $1.131370830e+01, v0  }
0x259: {  	s0 =	simm.s32 $0x5C00;
	v3 =	vld [tilespmem:s9+$0x30]  }
0x25a: {  	[tilespmem:s2+$0xB0] =	vst v0;
	v0 =	vld [tilespmem:s0+$0x80]  }
0x25b: {  	v4 =	vld [tilespmem:s9+$0xC0]  }
0x25c: {  	v5 =	vld [tilespmem:s0+$0xFFFFFF80];
	v1 =	vmul.f32 $1.131370830e+01, v1  }
0x25d: {  	v6 =	vld [tilespmem:s0+$0x0];
	v2 =	vmul.f32 $1.131370830e+01, v2  }
0x25e: {  	v3 =	vmul.f32 $1.131370830e+01, v3;
	[tilespmem:s2+$0xFFFFFF30] =	vst v1;
	v1 =	vld [tilespmem:s0+$0xFFFFFF00]  }
0x25f: {  	[tilespmem:s2+$0xFFFFFFB0] =	vst v2;
	v2 =	vld [tilespmem:s9+$0xFFFFFF40];
	v0 =	vmul.f32 $1.131370830e+01, v0  }
0x260: {  	s16 =	simm.s32 $0x11C00;
	[tilespmem:s2+$0x30] =	vst v3;
	v3 =	vld [tilespmem:s9+$0xFFFFFFC0];
	v4 =	vmul.f32 $1.131370830e+01, v4  }
0x261: {  	v5 =	vmul.f32 $1.131370830e+01, v5;
	[tilespmem:s16+$0x80] =	vst v0;
	v0 =	vld [tilespmem:s9+$0x40]  }
0x262: {  	v6 =	vmul.f32 $1.131370830e+01, v6;
	v7 =	vld [tilespmem:s0+$0x90];
	[tilespmem:s2+$0xC0] =	vst v4  }
0x263: {  	[tilespmem:s16+$0xFFFFFF80] =	vst v5;
	v1 =	vmul.f32 $1.131370830e+01, v1;
	v4 =	vld [tilespmem:s9+$0xD0]  }
0x264: {  	[tilespmem:s16+$0x0] =	vst v6;
	v5 =	vld [tilespmem:s0+$0xFFFFFF90];
	v2 =	vmul.f32 $1.131370830e+01, v2  }
0x265: {  	v3 =	vmul.f32 $1.131370830e+01, v3;
	[tilespmem:s16+$0xFFFFFF00] =	vst v1;
	v1 =	vld [tilespmem:s0+$0x10]  }
0x266: {  	v6 =	vld [tilespmem:s0+$0xFFFFFF10];
	[tilespmem:s2+$0xFFFFFF40] =	vst v2;
	v0 =	vmul.f32 $1.131370830e+01, v0  }
0x267: {  	[tilespmem:s2+$0xFFFFFFC0] =	vst v3;
	v2 =	vmul.f32 $1.131370830e+01, v7;
	v7 =	vld [tilespmem:s9+$0xFFFFFF50]  }
0x268: {  	v3 =	vld [tilespmem:s9+$0xFFFFFFD0];
	[tilespmem:s2+$0x40] =	vst v0;
	v0 =	vmul.f32 $1.131370830e+01, v4  }
0x269: {  	v4 =	vmul.f32 $1.131370830e+01, v5;
	[tilespmem:s16+$0x90] =	vst v2;
	v2 =	vld [tilespmem:s9+$0x50]  }
0x26a: {  	v1 =	vmul.f32 $1.131370830e+01, v1;
	v5 =	vld [tilespmem:s0+$0xA0];
	[tilespmem:s2+$0xD0] =	vst v0  }
0x26b: {  	v0 =	vmul.f32 $1.131370830e+01, v6;
	[tilespmem:s16+$0xFFFFFF90] =	vst v4;
	v4 =	vld [tilespmem:s9+$0xE0]  }
0x26c: {  	[tilespmem:s16+$0x10] =	vst v1;
	v6 =	vld [tilespmem:s0+$0xFFFFFFA0];
	v1 =	vmul.f32 $1.131370830e+01, v7  }
0x26d: {  	v3 =	vmul.f32 $1.131370830e+01, v3;
	[tilespmem:s16+$0xFFFFFF10] =	vst v0;
	v0 =	vld [tilespmem:s0+$0x20]  }
0x26e: {  	v7 =	vld [tilespmem:s0+$0xFFFFFF20];
	[tilespmem:s2+$0xFFFFFF50] =	vst v1;
	v1 =	vmul.f32 $1.131370830e+01, v2  }
0x26f: {  	[tilespmem:s2+$0xFFFFFFD0] =	vst v3;
	v2 =	vmul.f32 $1.131370830e+01, v5;
	v5 =	vld [tilespmem:s9+$0xFFFFFF60]  }
0x270: {  	v3 =	vld [tilespmem:s9+$0xFFFFFFE0];
	[tilespmem:s2+$0x50] =	vst v1;
	v1 =	vmul.f32 $1.131370830e+01, v4  }
0x271: {  	v4 =	vmul.f32 $1.131370830e+01, v6;
	[tilespmem:s16+$0xA0] =	vst v2;
	v2 =	vld [tilespmem:s9+$0x60]  }
0x272: {  	v0 =	vmul.f32 $1.131370830e+01, v0;
	v6 =	vld [tilespmem:s0+$0xB0];
	[tilespmem:s2+$0xE0] =	vst v1  }
0x273: {  	v1 =	vmul.f32 $1.131370830e+01, v7;
	[tilespmem:s16+$0xFFFFFFA0] =	vst v4;
	v7 =	vld [tilespmem:s9+$0xF0]  }
0x274: {  	v8 =	vld [tilespmem:s0+$0xFFFFFFB0];
	[tilespmem:s16+$0x20] =	vst v0;
	v0 =	vmul.f32 $1.131370830e+01, v5  }
0x275: {  	v3 =	vmul.f32 $1.131370830e+01, v3;
	[tilespmem:s16+$0xFFFFFF20] =	vst v1;
	v4 =	vld [tilespmem:s0+$0x30]  }
0x276: {  	v5 =	vld [tilespmem:s0+$0xFFFFFF30];
	[tilespmem:s2+$0xFFFFFF60] =	vst v0;
	v2 =	vmul.f32 $1.131370830e+01, v2  }
0x277: {  	[tilespmem:s2+$0xFFFFFFE0] =	vst v3;
	v9 =	vmul.f32 $1.131370830e+01, v6;
	v1 =	vld [tilespmem:s9+$0xFFFFFF70]  }
0x278: {  	v0 =	vld [tilespmem:s9+$0xFFFFFFF0];
	[tilespmem:s2+$0x60] =	vst v2;
	v3 =	vmul.f32 $1.131370830e+01, v7  }
0x279: {  	s17 =	simm.s32 $0x4;
	s6 =	simm.s32 $0x5E00;
	v6 =	vmul.f32 $1.131370830e+01, v8;
	[tilespmem:s16+$0xB0] =	vst v9;
	v2 =	vld [tilespmem:s9+$0x70]  }
.LBB2_12:
0x27a: {  	v7 =	vld [tilespmem:s6+$0x80];
	v4 =	vmul.f32 $1.131370830e+01, v4;
	[tilespmem:s2+$0xF0] =	vst v3  }
0x27b: {  	s17 =	sadd.s32 $0x4, s17;
	v3 =	vmul.f32 $1.131370830e+01, v5;
	[tilespmem:s16+$0xFFFFFFB0] =	vst v6;
	v5 =	vld [tilespmem:s0+$0xC0]  }
0x27c: {  	p0 =	slt.u32 s17, $0x7C;
	v6 =	vld [tilespmem:s6+$0xFFFFFF80];
	[tilespmem:s16+$0x30] =	vst v4;
	v1 =	vmul.f32 $1.131370830e+01, v1  }
0x27d: {  	v4 =	vld [tilespmem:s6+$0x0];
	[tilespmem:s16+$0xFFFFFF30] =	vst v3;
	v0 =	vmul.f32 $1.131370830e+01, v0  }
0x27e: {  	v3 =	vld [tilespmem:s6+$0xFFFFFF00];
	[tilespmem:s2+$0xFFFFFF70] =	vst v1;
	v1 =	vmul.f32 $1.131370830e+01, v2  }
0x27f: {  	v2 =	vmul.f32 $1.131370830e+01, v7;
	v7 =	vld [tilespmem:s0+$0xFFFFFF40];
	[tilespmem:s2+$0xFFFFFFF0] =	vst v0  }
0x280: {  	v0 =	vld [tilespmem:s0+$0xFFFFFFC0];
	v5 =	vmul.f32 $1.131370830e+01, v5;
	[tilespmem:s2+$0x70] =	vst v1;
	s2 =	smov.u32 s16;
	s16 =	sadd.s32 $0x200, s16  }
0x281: {  	v1 =	vmul.f32 $1.131370830e+01, v6;
	[tilespmem:s16+$0x80] =	vst v2;
	v2 =	vld [tilespmem:s0+$0x40]  }
0x282: {  	v4 =	vmul.f32 $1.131370830e+01, v4;
	v6 =	vld [tilespmem:s6+$0x90];
	[tilespmem:s2+$0xC0] =	vst v5  }
0x283: {  	v3 =	vmul.f32 $1.131370830e+01, v3;
	[tilespmem:s16+$0xFFFFFF80] =	vst v1;
	v1 =	vld [tilespmem:s0+$0xD0]  }
0x284: {  	v5 =	vld [tilespmem:s6+$0xFFFFFF90];
	[tilespmem:s16+$0x0] =	vst v4;
	v4 =	vmul.f32 $1.131370830e+01, v7  }
0x285: {  	[tilespmem:s16+$0xFFFFFF00] =	vst v3;
	v3 =	vld [tilespmem:s6+$0x10];
	v0 =	vmul.f32 $1.131370830e+01, v0  }
0x286: {  	v7 =	vld [tilespmem:s6+$0xFFFFFF10];
	[tilespmem:s2+$0xFFFFFF40] =	vst v4;
	v2 =	vmul.f32 $1.131370830e+01, v2  }
0x287: {  	v4 =	vmul.f32 $1.131370830e+01, v6;
	v6 =	vld [tilespmem:s0+$0xFFFFFF50];
	[tilespmem:s2+$0xFFFFFFC0] =	vst v0  }
0x288: {  	v0 =	vld [tilespmem:s0+$0xFFFFFFD0];
	[tilespmem:s2+$0x40] =	vst v2;
	v1 =	vmul.f32 $1.131370830e+01, v1  }
0x289: {  	v2 =	vmul.f32 $1.131370830e+01, v5;
	[tilespmem:s16+$0x90] =	vst v4;
	v4 =	vld [tilespmem:s0+$0x50]  }
0x28a: {  	v3 =	vmul.f32 $1.131370830e+01, v3;
	v5 =	vld [tilespmem:s6+$0xA0];
	[tilespmem:s2+$0xD0] =	vst v1  }
0x28b: {  	v1 =	vmul.f32 $1.131370830e+01, v7;
	[tilespmem:s16+$0xFFFFFF90] =	vst v2;
	v2 =	vld [tilespmem:s0+$0xE0]  }
0x28c: {  	v7 =	vld [tilespmem:s6+$0xFFFFFFA0];
	[tilespmem:s16+$0x10] =	vst v3;
	v3 =	vmul.f32 $1.131370830e+01, v6  }
0x28d: {  	[tilespmem:s16+$0xFFFFFF10] =	vst v1;
	v1 =	vld [tilespmem:s6+$0x20];
	v0 =	vmul.f32 $1.131370830e+01, v0  }
0x28e: {  	v6 =	vld [tilespmem:s6+$0xFFFFFF20];
	[tilespmem:s2+$0xFFFFFF50] =	vst v3;
	v3 =	vmul.f32 $1.131370830e+01, v4  }
0x28f: {  	v4 =	vmul.f32 $1.131370830e+01, v5;
	v5 =	vld [tilespmem:s0+$0xFFFFFF60];
	[tilespmem:s2+$0xFFFFFFD0] =	vst v0  }
0x290: {  	v0 =	vld [tilespmem:s0+$0xFFFFFFE0];
	[tilespmem:s2+$0x50] =	vst v3;
	v2 =	vmul.f32 $1.131370830e+01, v2  }
0x291: {  	v3 =	vmul.f32 $1.131370830e+01, v7;
	[tilespmem:s16+$0xA0] =	vst v4;
	v7 =	vld [tilespmem:s0+$0x60]  }
0x292: {  	v1 =	vmul.f32 $1.131370830e+01, v1;
	v8 =	vld [tilespmem:s6+$0xB0];
	[tilespmem:s2+$0xE0] =	vst v2  }
0x293: {  	v2 =	vmul.f32 $1.131370830e+01, v6;
	[tilespmem:s16+$0xFFFFFFA0] =	vst v3;
	v3 =	vld [tilespmem:s0+$0xF0]  }
0x294: {  	v6 =	vld [tilespmem:s6+$0xFFFFFFB0];
	[tilespmem:s16+$0x20] =	vst v1;
	v1 =	vmul.f32 $1.131370830e+01, v5  }
.Ltmp5:
0x295: {  	[tilespmem:s16+$0xFFFFFF20] =	vst v2;
	v4 =	vld [tilespmem:s6+$0x30];
	v0 =	vmul.f32 $1.131370830e+01, v0;
	(pc) =	sbr.rel @p0 .LBB2_12-.Ltmp5, $4  }
0x296: {  	v5 =	vld [tilespmem:s6+$0xFFFFFF30];
	[tilespmem:s2+$0xFFFFFF60] =	vst v1;
	v2 =	vmul.f32 $1.131370830e+01, v7  }
0x297: {  	v7 =	vmul.f32 $1.131370830e+01, v8;
	v1 =	vld [tilespmem:s0+$0xFFFFFF70];
	[tilespmem:s2+$0xFFFFFFE0] =	vst v0  }
0x298: {  	v0 =	vld [tilespmem:s0+$0xFFFFFFF0];
	[tilespmem:s2+$0x60] =	vst v2;
	v3 =	vmul.f32 $1.131370830e+01, v3  }
0x299: {  	v6 =	vmul.f32 $1.131370830e+01, v6;
	[tilespmem:s16+$0xB0] =	vst v7;
	v2 =	vld [tilespmem:s0+$0x70];
	s0 =	smov.u32 s6;
	s6 =	sadd.s32 $0x200, s6  }
0x29a: {  	v4 =	vmul.f32 $1.131370830e+01, v4  }
0x29b: {  	v7 =	vld [tilespmem:s0+$0xC0];
	v5 =	vmul.f32 $1.131370830e+01, v5;
	[tilespmem:s16+$0xFFFFFFB0] =	vst v6  }
0x29c: {  	[tilespmem:s16+$0x30] =	vst v4;
	v51 =	vld [tilespmem:s0+$0xFFFFFFC0]  }
0x29d: {  	[tilespmem:s16+$0xFFFFFF30] =	vst v5;
	v52 =	vld [tilespmem:s0+$0x40]  }
0x29e: {  	v5 =	vld [tilespmem:s0+$0xFFFFFF40];
	_ =	sdelay $0x1  }
0x29f: {  	v7 =	vmul.f32 $1.131370830e+01, v7  }
0x2a0: {  	v4 =	vmul.f32 $1.131370830e+01, v51  }
0x2a1: {  	[tilespmem:s16+$0xC0] =	vst v7;
	v53 =	vmul.f32 $1.131370830e+01, v52  }
0x2a2: {  	v7 =	vld [tilespmem:s0+$0xD0];
	v5 =	vmul.f32 $1.131370830e+01, v5;
	[tilespmem:s16+$0xFFFFFFC0] =	vst v4  }
0x2a3: {  	v4 =	vld [tilespmem:s0+$0xFFFFFFD0];
	[tilespmem:s16+$0x40] =	vst v53  }
0x2a4: {  	[tilespmem:s16+$0xFFFFFF40] =	vst v5;
	v5 =	vld [tilespmem:s0+$0x50]  }
0x2a5: {  	v54 =	vld [tilespmem:s0+$0xFFFFFF50];
	_ =	sdelay $0x1  }
0x2a6: {  	v7 =	vmul.f32 $1.131370830e+01, v7  }
0x2a7: {  	v4 =	vmul.f32 $1.131370830e+01, v4  }
0x2a8: {  	[tilespmem:s16+$0xD0] =	vst v7;
	v5 =	vmul.f32 $1.131370830e+01, v5  }
0x2a9: {  	v7 =	vld [tilespmem:s0+$0xE0];
	v6 =	vmul.f32 $1.131370830e+01, v54;
	[tilespmem:s16+$0xFFFFFFD0] =	vst v4  }
0x2aa: {  	v4 =	vld [tilespmem:s0+$0xFFFFFFE0];
	[tilespmem:s16+$0x50] =	vst v5  }
0x2ab: {  	[tilespmem:s16+$0xFFFFFF50] =	vst v6;
	v5 =	vld [tilespmem:s0+$0x60]  }
0x2ac: {  	v6 =	vld [tilespmem:s0+$0xFFFFFF60];
	_ =	sdelay $0x1  }
0x2ad: {  	v7 =	vmul.f32 $1.131370830e+01, v7  }
0x2ae: {  	v4 =	vmul.f32 $1.131370830e+01, v4  }
0x2af: {  	[tilespmem:s16+$0xE0] =	vst v7;
	v5 =	vmul.f32 $1.131370830e+01, v5  }
0x2b0: {  	v55 =	vld [tilespmem:s0+$0xF0];
	v6 =	vmul.f32 $1.131370830e+01, v6;
	[tilespmem:s16+$0xFFFFFFE0] =	vst v4  }
0x2b1: {  	[tilespmem:s16+$0x60] =	vst v5;
	v57 =	vld [tilespmem:s0+$0xFFFFFFF0]  }
0x2b2: {  	v1 =	vmul.f32 $1.131370830e+01, v1;
	[tilespmem:s16+$0xFFFFFF60] =	vst v6;
	v58 =	vld [tilespmem:s0+$0x70]  }
0x2b3: {  	[tilespmem:s2+$0xF0] =	vst v3;
	v0 =	vmul.f32 $1.131370830e+01, v0;
	v56 =	vld [tilespmem:s0+$0xFFFFFF70]  }
0x2b4: {  	[tilespmem:s2+$0xFFFFFF70] =	vst v1;
	v59 =	vmul.f32 $1.131370830e+01, v2  }
0x2b5: {  	[tilespmem:s2+$0xFFFFFFF0] =	vst v0;
	v60 =	vmul.f32 $1.131370830e+01, v55  }
0x2b6: {  	[tilespmem:s2+$0x70] =	vst v59;
	v62 =	vmul.f32 $1.131370830e+01, v57  }
0x2b7: {  	[tilespmem:s16+$0xF0] =	vst v60;
	v63 =	vmul.f32 $1.131370830e+01, v58  }
0x2b8: {  	v61 =	vmul.f32 $1.131370830e+01, v56;
	[tilespmem:s16+$0xFFFFFFF0] =	vst v62  }
0x2b9: {  	[tilespmem:s16+$0x70] =	vst v63  }
0x2ba: {  	[tilespmem:s16+$0xFFFFFF70] =	vst v61  }
0x2bb: {  	[hbm4b:s10+s4] =	stream.linear.scatter [tilespmem:s21], [sflag:$0x5], $0x4000, $0x38;
	[tilespmem:$0x19900] =	vst v63  }
0x2bc: {  	_ =	swait.ge [sflag:s24], $0x4000  }
0x2bd: {  	[sflag:s24] =	ssyncset.done $0x0  }
0x2be: {  	s28 =	sadd.s32 $0x1, s28;
	[sflag:s24] =	ssyncadd.s32 $0xFFFFC000  }
0x2bf: {  	p0 =	sne.s32 s28, s11;
	_ =	swait.ge [sflag:s25], $0x4000  }
.Ltmp6:
0x2c0: {  	[sflag:s25] =	ssyncset.done $0x0;
	(pc) =	sbr.rel @p0 .LBB2_1-.Ltmp6, $4  }
0x2c1: {  	[sflag:s25] =	ssyncadd.s32 $0xFFFFC000  }
0x2c2: {  	_ =	swait.ge [sflag:s26], $0x4000  }
0x2c3: {  	[sflag:s26] =	ssyncset.done $0x0  }
0x2c4: {  	[sflag:s26] =	ssyncadd.s32 $0xFFFFC000  }
0x2c5: {  	_ =	sfence.sel $0x180000  }
0x2c6: {  	[bflag:$0x0] =	sbarrier.arrive $0xFFFF  }
0x2c7: {  	_ =	strace $0x90000047  }
0x2c8: {  	s0 =	stileid.u32;
	[bflag:$0x2] =	sbarrier.arrive $0xFFFF  }
0x2c9: {  	p0 =	sne.s32 s0, $0x0;
	s0 =	rddreg [dreg:$0x3]  }
0x2ca: {  	s0 =	sadd.s32 @!p0 $0x100000, s0  }
0x2cb: {  	[sflag:s0] =	ssyncadd.tile.s32 @!p0 $0x1;
	_ =	shalt  }
.Lfunc_end2:
_tile_overlayer_lowered:
.L_overlay_start_2:
0x2cc: {  	(tag) =	ssettag $0x2  }
0x2cd: {  	s0 =	rddreg [dreg:$0x0];
	s2 =	stileid.u32  }
0x2ce: {  	s1 =	rddreg [dreg:$0x1];
	p0 =	sne.s32 s2, $0x0  }
0x2cf: {  	s3 =	rddreg [dreg:$0x2];
	[bflag:$0x3] =	sbarrier.arrive $0xFFFF;
	s2 =	simm.s32 @!p0 $0x1C07  }
0x2d0: {  	[timem:s3], [sflag:s2] =	dma.local @!p0 [hbm:s0], s1  }
0x2d1: {  	s0 =	simm.s32 @!p0 $0x7  }
0x2d2: {  	_ =	swait.ge @!p0 [sflag:s0], s1  }
0x2d3: {  	s1 =	ssub.s32 @!p0 $0x0, s1;
	[sflag:s0] =	ssyncset.done @!p0 $0x0  }
0x2d4: {  	[sflag:s0] =	ssyncadd.s32 @!p0 s1  }
0x2d5: {  	[bflag:$0x3] =	sbarrier.arrive $0xFFFF  }
0x2d6: {  	_ =	shalt  }

</sc_bundles>
